<compile_context>
chip_gen: v7x
topology: tpu7x:2x2x1
jax: 0.10.2.dev20260603
libtpu: 0.0.44.dev20260713+nightly
codegen_flags: <defaults>
</compile_context>

<pallas_src>
import functools

import jax
import jax.numpy as jnp
from jax import lax
from jax.experimental import pallas as pl
from jax.experimental.pallas import tpu as pltpu
from jax.experimental.pallas import tpu_sc as plsc


_LANES = 128
_ROWS = 2


def kernel(x, table):
    B, S = x.shape
    V, E = table.shape
    idx = x.reshape(B // _ROWS, _ROWS, S)
    tab_p = jnp.pad(table, ((0, 0), (0, _LANES - E)))
    w0 = _LANES
    w1 = S - _LANES

    mesh = plsc.VectorSubcoreMesh(core_axis_name="core",
                                  subcore_axis_name="subcore")

    @functools.partial(
        pl.kernel,
        out_type=jax.ShapeDtypeStruct((B, S, _LANES), table.dtype),
        mesh=mesh,
        scratch_types=[
            pltpu.VMEM_SHARED((V, _LANES), jnp.float32),
            pltpu.SemaphoreType.DMA,
        ],
    )
    def gather_kernel(tab_hbm, i_hbm, o_hbm, tab_shared, sem):
        sid = lax.axis_index("subcore")

        @pl.when(sid == 0)
        def _stage_table():
            pltpu.sync_copy(tab_hbm, tab_shared)

        plsc.subcore_barrier()

        def body(i_vmem, o_vmem):
            copies = []
            for r in range(_ROWS):
                copies.append(pltpu.async_copy(
                    tab_shared.at[i_vmem.at[0, r, pl.ds(0, w0)]],
                    o_vmem.at[r, pl.ds(0, w0)], sem))
                copies.append(pltpu.async_copy(
                    tab_shared.at[i_vmem.at[0, r, pl.ds(w0, w1)]],
                    o_vmem.at[r, pl.ds(w0, w1)], sem))
            for c in copies:
                c.wait()

        pltpu.emit_pipeline(
            body,
            grid=(B // _ROWS,),
            in_specs=[pl.BlockSpec((1, _ROWS, S),
                                   index_map=lambda i: (i, 0, 0))],
            out_specs=[pl.BlockSpec((_ROWS, S, _LANES),
                                    index_map=lambda i: (i, 0, 0))],
            core_axis_name=("core", "subcore"),
            dimension_semantics=(pltpu.PARALLEL,),
        )(i_hbm, o_hbm)

    return gather_kernel(tab_p, idx)[:, :, :E]

# --- scband reference (transcript-rebuilt; emitter-appended) ---
"""Pipeline reference for scband-minute-embedding-14903536517253 (READ-ONLY COPY).

The authoritative reference and input builder live on the scoring server;
editing this copy changes nothing except your own understanding.
"""

import jax, jax.numpy as jnp
import numpy as np

VOCAB = 1440
EMBED = 48

def setup_inputs(seed: int = 0) -> dict:
    key = jax.random.key(seed)
    k1, k2 = jax.random.split(key)
    x = jax.random.randint(k1, (16384, 200), 0, VOCAB, dtype=jnp.int64 if jax.config.jax_enable_x64 else jnp.int32)
    table = jax.random.normal(k2, (VOCAB, EMBED), dtype=jnp.float32)
    return {"x": x, "table": table}

def reference(x, table):
    # nn.Embedding forward: gather rows of the table by index
    return jnp.take(table, x, axis=0)

if __name__ == "__main__":
    import jax
    _d = setup_inputs()
    print(jax.jit(kernel)(*tuple(_d.values())))

</pallas_src>

<mosaic_0001>
#map = affine_map<(d0, d1) -> (0, 0)>
#map1 = affine_map<(d0, d1) -> (0, 0, 0)>
module attributes {stable_mosaic.version = 14 : i64} {
  func.func @gather_kernel(%arg0: i32, %arg1: i32, %arg2: memref<1440x128xf32, #tpu.memory_space<hbm>>, %arg3: memref<8192x2x200xi32, #tpu.memory_space<hbm>>, %arg4: memref<16384x200x128xf32, #tpu.memory_space<hbm>>, %arg5: memref<1440x128xf32, #tpu.memory_space<vmem_shared>>, %arg6: memref<!tpu.dma_semaphore, #tpu.memory_space<semaphore_mem>>) attributes {dimension_semantics = [#tpu.dimension_semantics<core_parallel>, #tpu.dimension_semantics<subcore_parallel>], iteration_bounds = array<i64: 2, 16>, scalar_prefetch = 0 : i64, scratch_operands = 2 : i64, tpu.core_type = #tpu.core_type<sc_vector_subcore>, window_params = [{transform_indices = #map}, {transform_indices = #map1}, {transform_indices = #map1}]} {
    %eq3A = arith.constant 0 : i32
    %eq3A_0 = arith.cmpi eq, %arg1, %eq3A : i32
    %convert_element_type3A = arith.extui %eq3A_0 : i1 to i32
    %cond3A = arith.constant 0 : i32
    %cond3A_1 = arith.cmpi ne, %convert_element_type3A, %cond3A : i32
    scf.if %cond3A_1 {
      "tpu.region"() ({
        %run_scoped3A = tpu.sem_alloc : memref<!tpu.dma_semaphore, #tpu.memory_space<semaphore_mem>>
        tpu.enqueue_dma source(%arg2 : memref<1440x128xf32, #tpu.memory_space<hbm>>) target(%arg5 : memref<1440x128xf32, #tpu.memory_space<vmem_shared>>) target_semaphore(%run_scoped3A : memref<!tpu.dma_semaphore, #tpu.memory_space<semaphore_mem>>)
        tpu.wait_dma2 semaphore(%run_scoped3A : memref<!tpu.dma_semaphore, #tpu.memory_space<semaphore_mem>>) src(%arg2 : memref<1440x128xf32, #tpu.memory_space<hbm>>) dst(%arg5 : memref<1440x128xf32, #tpu.memory_space<vmem_shared>>)
        tpu.yield
      }) : () -> ()
    } else {
    }
    %barrier3A = arith.constant 0 : index
    tpu.barrier barrier_id(%barrier3A)
    %mul3A = arith.constant 1 : i32
    %mul3A_2 = arith.muli %arg1, %mul3A : i32
    %add3A = arith.constant 0 : i32
    %add3A_3 = arith.addi %add3A, %mul3A_2 : i32
    %mul3A_4 = arith.constant 16 : i32
    %mul3A_5 = arith.muli %arg0, %mul3A_4 : i32
    %add3A_6 = arith.addi %add3A_3, %mul3A_5 : i32
    %mul3A_7 = arith.constant 256 : i32
    %mul3A_8 = arith.muli %add3A_6, %mul3A_7 : i32
    "tpu.region"() ({
      %run_scoped3A = memref.alloca() : memref<2x1x2x200xi32, #tpu.memory_space<vmem>>
      %run_scoped3A_9 = tpu.sem_alloc : memref<2x!tpu.dma_semaphore, #tpu.memory_space<semaphore_mem>>
      %run_scoped3A_10 = memref.alloca() : memref<2x2x200x128xf32, #tpu.memory_space<vmem>>
      %run_scoped3A_11 = tpu.sem_alloc : memref<2x!tpu.dma_semaphore, #tpu.memory_space<semaphore_mem>>
      %add3A_12 = arith.constant 0 : i32
      %add3A_13 = arith.addi %add3A_12, %mul3A_8 : i32
      %select_n3A = arith.constant true
      %select_n3A_14 = arith.constant 0 : i32
      %select_n3A_15 = arith.constant -1 : i32
      %select_n3A_16 = arith.select %select_n3A, %select_n3A_15, %select_n3A_14 : i32
      %eq3A_17 = arith.constant -1 : i32
      %eq3A_18 = arith.cmpi eq, %select_n3A_16, %eq3A_17 : i32
      %select_n3A_19 = arith.constant 255 : i32
      %select_n3A_20 = arith.select %eq3A_18, %select_n3A_19, %select_n3A_16 : i32
      %add3A_21 = arith.addi %select_n3A_20, %mul3A_8 : i32
      %select_n3A_22 = arith.constant true
      %select_n3A_23 = arith.constant 0 : i32
      %select_n3A_24 = arith.constant 1 : i32
      %select_n3A_25 = arith.select %select_n3A_22, %select_n3A_24, %select_n3A_23 : i32
      %eq3A_26 = arith.constant 256 : i32
      %eq3A_27 = arith.cmpi eq, %select_n3A_25, %eq3A_26 : i32
      %select_n3A_28 = arith.constant 0 : i32
      %select_n3A_29 = arith.select %eq3A_27, %select_n3A_28, %select_n3A_25 : i32
      %add3A_30 = arith.addi %select_n3A_29, %mul3A_8 : i32
      %add3A_31 = arith.constant 1 : i32
      %add3A_32 = arith.addi %select_n3A_29, %add3A_31 : i32
      %select_n3A_33 = arith.constant true
      %select_n3A_34 = arith.select %select_n3A_33, %add3A_32, %select_n3A_29 : i32
      %eq3A_35 = arith.constant 256 : i32
      %eq3A_36 = arith.cmpi eq, %select_n3A_34, %eq3A_35 : i32
      %select_n3A_37 = arith.constant 0 : i32
      %select_n3A_38 = arith.select %eq3A_36, %select_n3A_37, %select_n3A_34 : i32
      %add3A_39 = arith.addi %select_n3A_38, %mul3A_8 : i32
      "tpu.trace_start"() <{level = 10 : i32, message = "ep_initialize_0"}> : () -> ()
      %rem3A = arith.constant 0 : i32
      %rem3A_40 = arith.constant 2 : i32
      %rem3A_41 = arith.remui %rem3A, %rem3A_40 : i32
      %mul3A_42 = arith.constant 1 : i32
      %mul3A_43 = arith.muli %mul3A_42, %add3A_13 : i32
      %dma_start3A = arith.constant 0 : i32
      %dma_start3A_44 = arith.constant 0 : i32
      %dma_start3A_45 = arith.constant 0 : i32
      %dma_start3A_46 = tpu.memref_slice %run_scoped3A[%rem3A_41, %dma_start3A, %dma_start3A_44, %dma_start3A_45] : memref<2x1x2x200xi32, #tpu.memory_space<vmem>> -> memref<1x1x2x200xi32, #tpu.memory_space<vmem>>
      %dma_start3A_47 = tpu.memref_squeeze %dma_start3A_46 : memref<1x1x2x200xi32, #tpu.memory_space<vmem>> -> memref<1x2x200xi32, #tpu.memory_space<vmem>>
      %dma_start3A_48 = arith.constant 0 : i32
      %dma_start3A_49 = arith.constant 0 : i32
      %dma_start3A_50 = tpu.memref_slice %arg3[%mul3A_43, %dma_start3A_48, %dma_start3A_49] : memref<8192x2x200xi32, #tpu.memory_space<hbm>> -> memref<1x2x200xi32, #tpu.memory_space<hbm>>
      %dma_start3A_51 = tpu.memref_slice %run_scoped3A_9[%rem3A_41] : memref<2x!tpu.dma_semaphore, #tpu.memory_space<semaphore_mem>> -> memref<1x!tpu.dma_semaphore, #tpu.memory_space<semaphore_mem>>
      %dma_start3A_52 = tpu.memref_squeeze %dma_start3A_51 : memref<1x!tpu.dma_semaphore, #tpu.memory_space<semaphore_mem>> -> memref<!tpu.dma_semaphore, #tpu.memory_space<semaphore_mem>>
      %dma_start3A_53 = arith.constant 0 : i32
      %dma_start3A_54 = arith.constant 0 : i32
      %dma_start3A_55 = arith.constant 0 : i32
      %dma_start3A_56 = tpu.memref_slice %run_scoped3A[%rem3A_41, %dma_start3A_53, %dma_start3A_54, %dma_start3A_55] : memref<2x1x2x200xi32, #tpu.memory_space<vmem>> -> memref<1x1x2x200xi32, #tpu.memory_space<vmem>>
      %dma_start3A_57 = tpu.memref_squeeze %dma_start3A_56 : memref<1x1x2x200xi32, #tpu.memory_space<vmem>> -> memref<1x2x200xi32, #tpu.memory_space<vmem>>
      %dma_start3A_58 = arith.constant 0 : i32
      %dma_start3A_59 = arith.constant 0 : i32
      %dma_start3A_60 = tpu.memref_slice %arg3[%mul3A_43, %dma_start3A_58, %dma_start3A_59] : memref<8192x2x200xi32, #tpu.memory_space<hbm>> -> memref<1x2x200xi32, #tpu.memory_space<hbm>>
      tpu.enqueue_dma source(%dma_start3A_60 : memref<1x2x200xi32, #tpu.memory_space<hbm>>) target(%dma_start3A_57 : memref<1x2x200xi32, #tpu.memory_space<vmem>>) target_semaphore(%dma_start3A_52 : memref<!tpu.dma_semaphore, #tpu.memory_space<semaphore_mem>>)
      %add3A_61 = arith.constant 0 : i32
      %add3A_62 = arith.constant 1 : i32
      %add3A_63 = arith.addi %add3A_61, %add3A_62 : i32
      %select_n3A_64 = arith.constant true
      %select_n3A_65 = arith.constant 0 : i32
      %select_n3A_66 = arith.select %select_n3A_64, %add3A_63, %select_n3A_65 : i32
      "tpu.trace_stop"() : () -> ()
      %scan3A = arith.constant 0 : i32
      %scan3A_67 = arith.constant 0 : i32
      %scan3A_68 = arith.constant 0 : i32
      %scan3A_69 = arith.constant 0 : i32
      %scan3A_70 = arith.constant 0 : i32
      %scan3A_71 = arith.constant 256 : i32
      %scan3A_72 = arith.addi %scan3A_70, %scan3A_71 : i32
      %scan3A_73 = arith.constant 1 : i32
      %scan3A_74:5 = scf.for %scan3A_132 = %scan3A_70 to %scan3A_72 step %scan3A_73 iter_args(%scan3A_133 = %select_n3A_66, %scan3A_134 = %scan3A, %scan3A_135 = %scan3A_67, %scan3A_136 = %scan3A_68, %scan3A_137 = %scan3A_69) -> (i32, i32, i32, i32, i32)  : i32 {
        %eq3A_138 = arith.constant 0 : i32
        %eq3A_139 = arith.cmpi eq, %scan3A_132, %eq3A_138 : i32
        %eq3A_140 = arith.constant 255 : i32
        %eq3A_141 = arith.cmpi eq, %scan3A_132, %eq3A_140 : i32
        %add3A_142 = arith.addi %scan3A_137, %mul3A_8 : i32
        %sub3A_143 = arith.constant 1 : i32
        %sub3A_144 = arith.subi %scan3A_137, %sub3A_143 : i32
        %select_n3A_145 = arith.constant true
        %select_n3A_146 = arith.select %select_n3A_145, %sub3A_144, %scan3A_137 : i32
        %eq3A_147 = arith.constant -1 : i32
        %eq3A_148 = arith.cmpi eq, %select_n3A_146, %eq3A_147 : i32
        %select_n3A_149 = arith.constant 255 : i32
        %select_n3A_150 = arith.select %eq3A_148, %select_n3A_149, %select_n3A_146 : i32
        %add3A_151 = arith.addi %select_n3A_150, %mul3A_8 : i32
        %add3A_152 = arith.constant 1 : i32
        %add3A_153 = arith.addi %scan3A_137, %add3A_152 : i32
        %select_n3A_154 = arith.constant true
        %select_n3A_155 = arith.select %select_n3A_154, %add3A_153, %scan3A_137 : i32
        %eq3A_156 = arith.constant 256 : i32
        %eq3A_157 = arith.cmpi eq, %select_n3A_155, %eq3A_156 : i32
        %select_n3A_158 = arith.constant 0 : i32
        %select_n3A_159 = arith.select %eq3A_157, %select_n3A_158, %select_n3A_155 : i32
        %add3A_160 = arith.addi %select_n3A_159, %mul3A_8 : i32
        %add3A_161 = arith.constant 1 : i32
        %add3A_162 = arith.addi %select_n3A_159, %add3A_161 : i32
        %select_n3A_163 = arith.constant true
        %select_n3A_164 = arith.select %select_n3A_163, %add3A_162, %select_n3A_159 : i32
        %eq3A_165 = arith.constant 256 : i32
        %eq3A_166 = arith.cmpi eq, %select_n3A_164, %eq3A_165 : i32
        %select_n3A_167 = arith.constant 0 : i32
        %select_n3A_168 = arith.select %eq3A_166, %select_n3A_167, %select_n3A_164 : i32
        %add3A_169 = arith.addi %select_n3A_168, %mul3A_8 : i32
        %ne3A = arith.cmpi ne, %add3A_142, %add3A_160 : i32
        %or3A = arith.constant false
        %or3A_170 = arith.ori %or3A, %ne3A : i1
        %or3A_171 = arith.constant false
        %or3A_172 = arith.ori %or3A_170, %or3A_171 : i1
        %or3A_173 = arith.constant false
        %or3A_174 = arith.ori %or3A_172, %or3A_173 : i1
        %ge3A = arith.constant 255 : i32
        %ge3A_175 = arith.cmpi sge, %scan3A_132, %ge3A : i32
        %not3A = arith.constant true
        %not3A_176 = arith.xori %ge3A_175, %not3A : i1
        %and3A = arith.andi %or3A_174, %not3A_176 : i1
        %convert_element_type3A_177 = arith.extui %and3A : i1 to i32
        %cond3A_178 = arith.constant 0 : i32
        %cond3A_179 = arith.cmpi ne, %convert_element_type3A_177, %cond3A_178 : i32
        scf.if %cond3A_179 {
          "tpu.trace_start"() <{level = 10 : i32, message = "ep_copy_in"}> : () -> ()
          %rem3A_488 = arith.constant 2 : i32
          %rem3A_489 = arith.remui %scan3A_133, %rem3A_488 : i32
          %mul3A_490 = arith.constant 1 : i32
          %mul3A_491 = arith.muli %mul3A_490, %add3A_160 : i32
          %dma_start3A_492 = arith.constant 0 : i32
          %dma_start3A_493 = arith.constant 0 : i32
          %dma_start3A_494 = arith.constant 0 : i32
          %dma_start3A_495 = tpu.memref_slice %run_scoped3A[%rem3A_489, %dma_start3A_492, %dma_start3A_493, %dma_start3A_494] : memref<2x1x2x200xi32, #tpu.memory_space<vmem>> -> memref<1x1x2x200xi32, #tpu.memory_space<vmem>>
          %dma_start3A_496 = tpu.memref_squeeze %dma_start3A_495 : memref<1x1x2x200xi32, #tpu.memory_space<vmem>> -> memref<1x2x200xi32, #tpu.memory_space<vmem>>
          %dma_start3A_497 = arith.constant 0 : i32
          %dma_start3A_498 = arith.constant 0 : i32
          %dma_start3A_499 = tpu.memref_slice %arg3[%mul3A_491, %dma_start3A_497, %dma_start3A_498] : memref<8192x2x200xi32, #tpu.memory_space<hbm>> -> memref<1x2x200xi32, #tpu.memory_space<hbm>>
          %dma_start3A_500 = tpu.memref_slice %run_scoped3A_9[%rem3A_489] : memref<2x!tpu.dma_semaphore, #tpu.memory_space<semaphore_mem>> -> memref<1x!tpu.dma_semaphore, #tpu.memory_space<semaphore_mem>>
          %dma_start3A_501 = tpu.memref_squeeze %dma_start3A_500 : memref<1x!tpu.dma_semaphore, #tpu.memory_space<semaphore_mem>> -> memref<!tpu.dma_semaphore, #tpu.memory_space<semaphore_mem>>
          %dma_start3A_502 = arith.constant 0 : i32
          %dma_start3A_503 = arith.constant 0 : i32
          %dma_start3A_504 = arith.constant 0 : i32
          %dma_start3A_505 = tpu.memref_slice %run_scoped3A[%rem3A_489, %dma_start3A_502, %dma_start3A_503, %dma_start3A_504] : memref<2x1x2x200xi32, #tpu.memory_space<vmem>> -> memref<1x1x2x200xi32, #tpu.memory_space<vmem>>
          %dma_start3A_506 = tpu.memref_squeeze %dma_start3A_505 : memref<1x1x2x200xi32, #tpu.memory_space<vmem>> -> memref<1x2x200xi32, #tpu.memory_space<vmem>>
          %dma_start3A_507 = arith.constant 0 : i32
          %dma_start3A_508 = arith.constant 0 : i32
          %dma_start3A_509 = tpu.memref_slice %arg3[%mul3A_491, %dma_start3A_507, %dma_start3A_508] : memref<8192x2x200xi32, #tpu.memory_space<hbm>> -> memref<1x2x200xi32, #tpu.memory_space<hbm>>
          tpu.enqueue_dma source(%dma_start3A_509 : memref<1x2x200xi32, #tpu.memory_space<hbm>>) target(%dma_start3A_506 : memref<1x2x200xi32, #tpu.memory_space<vmem>>) target_semaphore(%dma_start3A_501 : memref<!tpu.dma_semaphore, #tpu.memory_space<semaphore_mem>>)
          "tpu.trace_stop"() : () -> ()
        } else {
        }
        %and3A_180 = arith.constant true
        %and3A_181 = arith.andi %and3A, %and3A_180 : i1
        %add3A_182 = arith.constant 1 : i32
        %add3A_183 = arith.addi %scan3A_133, %add3A_182 : i32
        %select_n3A_184 = arith.select %and3A_181, %add3A_183, %scan3A_133 : i32
        %ne3A_185 = arith.cmpi ne, %add3A_142, %add3A_160 : i32
        %or3A_186 = arith.constant false
        %or3A_187 = arith.ori %or3A_186, %ne3A_185 : i1
        %or3A_188 = arith.constant false
        %or3A_189 = arith.ori %or3A_187, %or3A_188 : i1
        %or3A_190 = arith.constant false
        %or3A_191 = arith.ori %or3A_189, %or3A_190 : i1
        %ge3A_192 = arith.constant 255 : i32
        %ge3A_193 = arith.cmpi sge, %scan3A_132, %ge3A_192 : i32
        %not3A_194 = arith.constant true
        %not3A_195 = arith.xori %ge3A_193, %not3A_194 : i1
        %and3A_196 = arith.andi %or3A_191, %not3A_195 : i1
        %ne3A_197 = arith.cmpi ne, %add3A_142, %add3A_151 : i32
        %or3A_198 = arith.constant false
        %or3A_199 = arith.ori %or3A_198, %ne3A_197 : i1
        %or3A_200 = arith.constant false
        %or3A_201 = arith.ori %or3A_199, %or3A_200 : i1
        %or3A_202 = arith.constant false
        %or3A_203 = arith.ori %or3A_201, %or3A_202 : i1
        %or3A_204 = arith.ori %or3A_203, %eq3A_139 : i1
        %convert_element_type3A_205 = arith.extui %or3A_204 : i1 to i32
        %cond3A_206 = arith.constant 0 : i32
        %cond3A_207 = arith.cmpi ne, %convert_element_type3A_205, %cond3A_206 : i32
        scf.if %cond3A_207 {
          "tpu.trace_start"() <{level = 10 : i32, message = "ep_wait_in"}> : () -> ()
          %mul3A_488 = arith.constant 1 : i32
          %mul3A_489 = arith.muli %mul3A_488, %add3A_142 : i32
          %rem3A_490 = arith.constant 2 : i32
          %rem3A_491 = arith.remui %scan3A_134, %rem3A_490 : i32
          %dma_wait3A_492 = arith.constant 0 : i32
          %dma_wait3A_493 = arith.constant 0 : i32
          %dma_wait3A_494 = arith.constant 0 : i32
          %dma_wait3A_495 = tpu.memref_slice %run_scoped3A[%rem3A_491, %dma_wait3A_492, %dma_wait3A_493, %dma_wait3A_494] : memref<2x1x2x200xi32, #tpu.memory_space<vmem>> -> memref<1x1x2x200xi32, #tpu.memory_space<vmem>>
          %dma_wait3A_496 = tpu.memref_squeeze %dma_wait3A_495 : memref<1x1x2x200xi32, #tpu.memory_space<vmem>> -> memref<1x2x200xi32, #tpu.memory_space<vmem>>
          %dma_wait3A_497 = arith.constant 0 : i32
          %dma_wait3A_498 = arith.constant 0 : i32
          %dma_wait3A_499 = tpu.memref_slice %arg3[%mul3A_489, %dma_wait3A_497, %dma_wait3A_498] : memref<8192x2x200xi32, #tpu.memory_space<hbm>> -> memref<1x2x200xi32, #tpu.memory_space<hbm>>
          %dma_wait3A_500 = tpu.memref_slice %run_scoped3A_9[%rem3A_491] : memref<2x!tpu.dma_semaphore, #tpu.memory_space<semaphore_mem>> -> memref<1x!tpu.dma_semaphore, #tpu.memory_space<semaphore_mem>>
          %dma_wait3A_501 = tpu.memref_squeeze %dma_wait3A_500 : memref<1x!tpu.dma_semaphore, #tpu.memory_space<semaphore_mem>> -> memref<!tpu.dma_semaphore, #tpu.memory_space<semaphore_mem>>
          %dma_wait3A_502 = arith.constant 0 : i32
          %dma_wait3A_503 = arith.constant 0 : i32
          %dma_wait3A_504 = arith.constant 0 : i32
          %dma_wait3A_505 = tpu.memref_slice %run_scoped3A[%rem3A_491, %dma_wait3A_502, %dma_wait3A_503, %dma_wait3A_504] : memref<2x1x2x200xi32, #tpu.memory_space<vmem>> -> memref<1x1x2x200xi32, #tpu.memory_space<vmem>>
          %dma_wait3A_506 = tpu.memref_squeeze %dma_wait3A_505 : memref<1x1x2x200xi32, #tpu.memory_space<vmem>> -> memref<1x2x200xi32, #tpu.memory_space<vmem>>
          %dma_wait3A_507 = arith.constant 0 : i32
          %dma_wait3A_508 = arith.constant 0 : i32
          %dma_wait3A_509 = tpu.memref_slice %arg3[%mul3A_489, %dma_wait3A_507, %dma_wait3A_508] : memref<8192x2x200xi32, #tpu.memory_space<hbm>> -> memref<1x2x200xi32, #tpu.memory_space<hbm>>
          tpu.wait_dma2 semaphore(%dma_wait3A_501 : memref<!tpu.dma_semaphore, #tpu.memory_space<semaphore_mem>>) src(%dma_wait3A_509 : memref<1x2x200xi32, #tpu.memory_space<hbm>>) dst(%dma_wait3A_506 : memref<1x2x200xi32, #tpu.memory_space<vmem>>)
          "tpu.trace_stop"() : () -> ()
        } else {
        }
        %ne3A_208 = arith.cmpi ne, %add3A_142, %add3A_151 : i32
        %or3A_209 = arith.constant false
        %or3A_210 = arith.ori %or3A_209, %ne3A_208 : i1
        %or3A_211 = arith.constant false
        %or3A_212 = arith.ori %or3A_210, %or3A_211 : i1
        %or3A_213 = arith.constant false
        %or3A_214 = arith.ori %or3A_212, %or3A_213 : i1
        %or3A_215 = arith.ori %or3A_214, %eq3A_139 : i1
        %convert_element_type3A_216 = arith.extui %or3A_215 : i1 to i32
        %cond3A_217 = arith.constant 0 : i32
        %cond3A_218 = arith.cmpi ne, %convert_element_type3A_216, %cond3A_217 : i32
        scf.if %cond3A_218 {
        } else {
        }
        %rem3A_219 = arith.constant 2 : i32
        %rem3A_220 = arith.remui %scan3A_134, %rem3A_219 : i32
        %rem3A_221 = arith.constant 2 : i32
        %rem3A_222 = arith.remui %scan3A_135, %rem3A_221 : i32
        %dma_start3A_223 = arith.constant 0 : i32
        %dma_start3A_224 = arith.constant 0 : i32
        %dma_start3A_225 = arith.constant 0 : i32
        "tpu.trace_start"() <{level = 10 : i32, message = "ep_run_kernel"}> : () -> ()
        %dma_start3A_226 = arith.constant 0 : i32
        %dma_start3A_227 = arith.constant 0 : i32
        %dma_start3A_228 = arith.constant 0 : i32
        %dma_start3A_229 = tpu.memref_slice %run_scoped3A_10[%rem3A_222, %dma_start3A_226, %dma_start3A_227, %dma_start3A_228] : memref<2x2x200x128xf32, #tpu.memory_space<vmem>> -> memref<1x2x200x128xf32, #tpu.memory_space<vmem>>
        %dma_start3A_230 = tpu.memref_squeeze %dma_start3A_229 : memref<1x2x200x128xf32, #tpu.memory_space<vmem>> -> memref<2x200x128xf32, #tpu.memory_space<vmem>>
        %dma_start3A_231 = arith.constant 0 : i32
        %dma_start3A_232 = arith.constant 0 : i32
        %dma_start3A_233 = tpu.memref_slice %dma_start3A_230[%dma_start3A_225, %dma_start3A_231, %dma_start3A_232] : memref<2x200x128xf32, #tpu.memory_space<vmem>> -> memref<1x128x128xf32, #tpu.memory_space<vmem>>
        %dma_start3A_234 = tpu.memref_squeeze %dma_start3A_233 : memref<1x128x128xf32, #tpu.memory_space<vmem>> -> memref<128x128xf32, #tpu.memory_space<vmem>>
        %dma_start3A_235 = arith.constant 0 : i32
        %dma_start3A_236 = arith.constant 0 : i32
        %dma_start3A_237 = arith.constant 0 : i32
        %dma_start3A_238 = tpu.memref_slice %run_scoped3A[%rem3A_220, %dma_start3A_235, %dma_start3A_236, %dma_start3A_237] : memref<2x1x2x200xi32, #tpu.memory_space<vmem>> -> memref<1x1x2x200xi32, #tpu.memory_space<vmem>>
        %dma_start3A_239 = tpu.memref_squeeze %dma_start3A_238 : memref<1x1x2x200xi32, #tpu.memory_space<vmem>> -> memref<1x2x200xi32, #tpu.memory_space<vmem>>
        %dma_start3A_240 = arith.constant 0 : i32
        %dma_start3A_241 = tpu.memref_slice %dma_start3A_239[%dma_start3A_223, %dma_start3A_224, %dma_start3A_240] : memref<1x2x200xi32, #tpu.memory_space<vmem>> -> memref<1x1x128xi32, #tpu.memory_space<vmem>>
        %dma_start3A_242 = tpu.memref_squeeze %dma_start3A_241 : memref<1x1x128xi32, #tpu.memory_space<vmem>> -> memref<128xi32, #tpu.memory_space<vmem>>
        %dma_start3A_243 = arith.constant 0 : i32
        %dma_start3A_244 = arith.constant 0 : i32
        %dma_start3A_245 = tpu.memref_slice %arg5[%dma_start3A_243, %dma_start3A_244] : memref<1440x128xf32, #tpu.memory_space<vmem_shared>> -> memref<1440x128xf32, #tpu.memory_space<vmem_shared>>
        tpu.enqueue_indirect_dma source(%dma_start3A_245 : memref<1440x128xf32, #tpu.memory_space<vmem_shared>>) target(%dma_start3A_234 : memref<128x128xf32, #tpu.memory_space<vmem>>) offsets(%dma_start3A_242 : memref<128xi32, #tpu.memory_space<vmem>>) semaphore(%arg6 : memref<!tpu.dma_semaphore, #tpu.memory_space<semaphore_mem>>)
        %dma_start3A_246 = arith.constant 0 : i32
        %dma_start3A_247 = arith.constant 0 : i32
        %dma_start3A_248 = arith.constant 0 : i32
        %dma_start3A_249 = arith.constant 0 : i32
        %dma_start3A_250 = arith.constant 0 : i32
        %dma_start3A_251 = arith.constant 0 : i32
        %dma_start3A_252 = tpu.memref_slice %run_scoped3A_10[%rem3A_222, %dma_start3A_249, %dma_start3A_250, %dma_start3A_251] : memref<2x2x200x128xf32, #tpu.memory_space<vmem>> -> memref<1x2x200x128xf32, #tpu.memory_space<vmem>>
        %dma_start3A_253 = tpu.memref_squeeze %dma_start3A_252 : memref<1x2x200x128xf32, #tpu.memory_space<vmem>> -> memref<2x200x128xf32, #tpu.memory_space<vmem>>
        %dma_start3A_254 = arith.constant 128 : i32
        %dma_start3A_255 = arith.constant 0 : i32
        %dma_start3A_256 = tpu.memref_slice %dma_start3A_253[%dma_start3A_248, %dma_start3A_254, %dma_start3A_255] : memref<2x200x128xf32, #tpu.memory_space<vmem>> -> memref<1x72x128xf32, #tpu.memory_space<vmem>>
        %dma_start3A_257 = tpu.memref_squeeze %dma_start3A_256 : memref<1x72x128xf32, #tpu.memory_space<vmem>> -> memref<72x128xf32, #tpu.memory_space<vmem>>
        %dma_start3A_258 = arith.constant 0 : i32
        %dma_start3A_259 = arith.constant 0 : i32
        %dma_start3A_260 = arith.constant 0 : i32
        %dma_start3A_261 = tpu.memref_slice %run_scoped3A[%rem3A_220, %dma_start3A_258, %dma_start3A_259, %dma_start3A_260] : memref<2x1x2x200xi32, #tpu.memory_space<vmem>> -> memref<1x1x2x200xi32, #tpu.memory_space<vmem>>
        %dma_start3A_262 = tpu.memref_squeeze %dma_start3A_261 : memref<1x1x2x200xi32, #tpu.memory_space<vmem>> -> memref<1x2x200xi32, #tpu.memory_space<vmem>>
        %dma_start3A_263 = arith.constant 128 : i32
        %dma_start3A_264 = tpu.memref_slice %dma_start3A_262[%dma_start3A_246, %dma_start3A_247, %dma_start3A_263] : memref<1x2x200xi32, #tpu.memory_space<vmem>> -> memref<1x1x72xi32, #tpu.memory_space<vmem>>
        %dma_start3A_265 = tpu.memref_squeeze %dma_start3A_264 : memref<1x1x72xi32, #tpu.memory_space<vmem>> -> memref<72xi32, #tpu.memory_space<vmem>>
        %dma_start3A_266 = arith.constant 0 : i32
        %dma_start3A_267 = arith.constant 0 : i32
        %dma_start3A_268 = tpu.memref_slice %arg5[%dma_start3A_266, %dma_start3A_267] : memref<1440x128xf32, #tpu.memory_space<vmem_shared>> -> memref<1440x128xf32, #tpu.memory_space<vmem_shared>>
        tpu.enqueue_indirect_dma source(%dma_start3A_268 : memref<1440x128xf32, #tpu.memory_space<vmem_shared>>) target(%dma_start3A_257 : memref<72x128xf32, #tpu.memory_space<vmem>>) offsets(%dma_start3A_265 : memref<72xi32, #tpu.memory_space<vmem>>) semaphore(%arg6 : memref<!tpu.dma_semaphore, #tpu.memory_space<semaphore_mem>>)
        %dma_start3A_269 = arith.constant 0 : i32
        %dma_start3A_270 = arith.constant 1 : i32
        %dma_start3A_271 = arith.constant 1 : i32
        %dma_start3A_272 = arith.constant 0 : i32
        %dma_start3A_273 = arith.constant 0 : i32
        %dma_start3A_274 = arith.constant 0 : i32
        %dma_start3A_275 = tpu.memref_slice %run_scoped3A_10[%rem3A_222, %dma_start3A_272, %dma_start3A_273, %dma_start3A_274] : memref<2x2x200x128xf32, #tpu.memory_space<vmem>> -> memref<1x2x200x128xf32, #tpu.memory_space<vmem>>
        %dma_start3A_276 = tpu.memref_squeeze %dma_start3A_275 : memref<1x2x200x128xf32, #tpu.memory_space<vmem>> -> memref<2x200x128xf32, #tpu.memory_space<vmem>>
        %dma_start3A_277 = arith.constant 0 : i32
        %dma_start3A_278 = arith.constant 0 : i32
        %dma_start3A_279 = tpu.memref_slice %dma_start3A_276[%dma_start3A_271, %dma_start3A_277, %dma_start3A_278] : memref<2x200x128xf32, #tpu.memory_space<vmem>> -> memref<1x128x128xf32, #tpu.memory_space<vmem>>
        %dma_start3A_280 = tpu.memref_squeeze %dma_start3A_279 : memref<1x128x128xf32, #tpu.memory_space<vmem>> -> memref<128x128xf32, #tpu.memory_space<vmem>>
        %dma_start3A_281 = arith.constant 0 : i32
        %dma_start3A_282 = arith.constant 0 : i32
        %dma_start3A_283 = arith.constant 0 : i32
        %dma_start3A_284 = tpu.memref_slice %run_scoped3A[%rem3A_220, %dma_start3A_281, %dma_start3A_282, %dma_start3A_283] : memref<2x1x2x200xi32, #tpu.memory_space<vmem>> -> memref<1x1x2x200xi32, #tpu.memory_space<vmem>>
        %dma_start3A_285 = tpu.memref_squeeze %dma_start3A_284 : memref<1x1x2x200xi32, #tpu.memory_space<vmem>> -> memref<1x2x200xi32, #tpu.memory_space<vmem>>
        %dma_start3A_286 = arith.constant 0 : i32
        %dma_start3A_287 = tpu.memref_slice %dma_start3A_285[%dma_start3A_269, %dma_start3A_270, %dma_start3A_286] : memref<1x2x200xi32, #tpu.memory_space<vmem>> -> memref<1x1x128xi32, #tpu.memory_space<vmem>>
        %dma_start3A_288 = tpu.memref_squeeze %dma_start3A_287 : memref<1x1x128xi32, #tpu.memory_space<vmem>> -> memref<128xi32, #tpu.memory_space<vmem>>
        %dma_start3A_289 = arith.constant 0 : i32
        %dma_start3A_290 = arith.constant 0 : i32
        %dma_start3A_291 = tpu.memref_slice %arg5[%dma_start3A_289, %dma_start3A_290] : memref<1440x128xf32, #tpu.memory_space<vmem_shared>> -> memref<1440x128xf32, #tpu.memory_space<vmem_shared>>
        tpu.enqueue_indirect_dma source(%dma_start3A_291 : memref<1440x128xf32, #tpu.memory_space<vmem_shared>>) target(%dma_start3A_280 : memref<128x128xf32, #tpu.memory_space<vmem>>) offsets(%dma_start3A_288 : memref<128xi32, #tpu.memory_space<vmem>>) semaphore(%arg6 : memref<!tpu.dma_semaphore, #tpu.memory_space<semaphore_mem>>)
        %dma_start3A_292 = arith.constant 0 : i32
        %dma_start3A_293 = arith.constant 1 : i32
        %dma_start3A_294 = arith.constant 1 : i32
        %dma_start3A_295 = arith.constant 0 : i32
        %dma_start3A_296 = arith.constant 0 : i32
        %dma_start3A_297 = arith.constant 0 : i32
        %dma_start3A_298 = tpu.memref_slice %run_scoped3A_10[%rem3A_222, %dma_start3A_295, %dma_start3A_296, %dma_start3A_297] : memref<2x2x200x128xf32, #tpu.memory_space<vmem>> -> memref<1x2x200x128xf32, #tpu.memory_space<vmem>>
        %dma_start3A_299 = tpu.memref_squeeze %dma_start3A_298 : memref<1x2x200x128xf32, #tpu.memory_space<vmem>> -> memref<2x200x128xf32, #tpu.memory_space<vmem>>
        %dma_start3A_300 = arith.constant 128 : i32
        %dma_start3A_301 = arith.constant 0 : i32
        %dma_start3A_302 = tpu.memref_slice %dma_start3A_299[%dma_start3A_294, %dma_start3A_300, %dma_start3A_301] : memref<2x200x128xf32, #tpu.memory_space<vmem>> -> memref<1x72x128xf32, #tpu.memory_space<vmem>>
        %dma_start3A_303 = tpu.memref_squeeze %dma_start3A_302 : memref<1x72x128xf32, #tpu.memory_space<vmem>> -> memref<72x128xf32, #tpu.memory_space<vmem>>
        %dma_start3A_304 = arith.constant 0 : i32
        %dma_start3A_305 = arith.constant 0 : i32
        %dma_start3A_306 = arith.constant 0 : i32
        %dma_start3A_307 = tpu.memref_slice %run_scoped3A[%rem3A_220, %dma_start3A_304, %dma_start3A_305, %dma_start3A_306] : memref<2x1x2x200xi32, #tpu.memory_space<vmem>> -> memref<1x1x2x200xi32, #tpu.memory_space<vmem>>
        %dma_start3A_308 = tpu.memref_squeeze %dma_start3A_307 : memref<1x1x2x200xi32, #tpu.memory_space<vmem>> -> memref<1x2x200xi32, #tpu.memory_space<vmem>>
        %dma_start3A_309 = arith.constant 128 : i32
        %dma_start3A_310 = tpu.memref_slice %dma_start3A_308[%dma_start3A_292, %dma_start3A_293, %dma_start3A_309] : memref<1x2x200xi32, #tpu.memory_space<vmem>> -> memref<1x1x72xi32, #tpu.memory_space<vmem>>
        %dma_start3A_311 = tpu.memref_squeeze %dma_start3A_310 : memref<1x1x72xi32, #tpu.memory_space<vmem>> -> memref<72xi32, #tpu.memory_space<vmem>>
        %dma_start3A_312 = arith.constant 0 : i32
        %dma_start3A_313 = arith.constant 0 : i32
        %dma_start3A_314 = tpu.memref_slice %arg5[%dma_start3A_312, %dma_start3A_313] : memref<1440x128xf32, #tpu.memory_space<vmem_shared>> -> memref<1440x128xf32, #tpu.memory_space<vmem_shared>>
        tpu.enqueue_indirect_dma source(%dma_start3A_314 : memref<1440x128xf32, #tpu.memory_space<vmem_shared>>) target(%dma_start3A_303 : memref<72x128xf32, #tpu.memory_space<vmem>>) offsets(%dma_start3A_311 : memref<72xi32, #tpu.memory_space<vmem>>) semaphore(%arg6 : memref<!tpu.dma_semaphore, #tpu.memory_space<semaphore_mem>>)
        %dma_wait3A_315 = arith.constant 0 : i32
        %dma_wait3A_316 = arith.constant 0 : i32
        %dma_wait3A_317 = arith.constant 0 : i32
        %dma_wait3A_318 = arith.constant 0 : i32
        %dma_wait3A_319 = arith.constant 0 : i32
        %dma_wait3A_320 = arith.constant 0 : i32
        %dma_wait3A_321 = tpu.memref_slice %run_scoped3A_10[%rem3A_222, %dma_wait3A_318, %dma_wait3A_319, %dma_wait3A_320] : memref<2x2x200x128xf32, #tpu.memory_space<vmem>> -> memref<1x2x200x128xf32, #tpu.memory_space<vmem>>
        %dma_wait3A_322 = tpu.memref_squeeze %dma_wait3A_321 : memref<1x2x200x128xf32, #tpu.memory_space<vmem>> -> memref<2x200x128xf32, #tpu.memory_space<vmem>>
        %dma_wait3A_323 = arith.constant 0 : i32
        %dma_wait3A_324 = arith.constant 0 : i32
        %dma_wait3A_325 = tpu.memref_slice %dma_wait3A_322[%dma_wait3A_317, %dma_wait3A_323, %dma_wait3A_324] : memref<2x200x128xf32, #tpu.memory_space<vmem>> -> memref<1x128x128xf32, #tpu.memory_space<vmem>>
        %dma_wait3A_326 = tpu.memref_squeeze %dma_wait3A_325 : memref<1x128x128xf32, #tpu.memory_space<vmem>> -> memref<128x128xf32, #tpu.memory_space<vmem>>
        %dma_wait3A_327 = arith.constant 0 : i32
        %dma_wait3A_328 = arith.constant 0 : i32
        %dma_wait3A_329 = arith.constant 0 : i32
        %dma_wait3A_330 = tpu.memref_slice %run_scoped3A[%rem3A_220, %dma_wait3A_327, %dma_wait3A_328, %dma_wait3A_329] : memref<2x1x2x200xi32, #tpu.memory_space<vmem>> -> memref<1x1x2x200xi32, #tpu.memory_space<vmem>>
        %dma_wait3A_331 = tpu.memref_squeeze %dma_wait3A_330 : memref<1x1x2x200xi32, #tpu.memory_space<vmem>> -> memref<1x2x200xi32, #tpu.memory_space<vmem>>
        %dma_wait3A_332 = arith.constant 0 : i32
        %dma_wait3A_333 = tpu.memref_slice %dma_wait3A_331[%dma_wait3A_315, %dma_wait3A_316, %dma_wait3A_332] : memref<1x2x200xi32, #tpu.memory_space<vmem>> -> memref<1x1x128xi32, #tpu.memory_space<vmem>>
        %dma_wait3A_334 = tpu.memref_squeeze %dma_wait3A_333 : memref<1x1x128xi32, #tpu.memory_space<vmem>> -> memref<128xi32, #tpu.memory_space<vmem>>
        %dma_wait3A_335 = arith.constant 0 : i32
        %dma_wait3A_336 = arith.constant 0 : i32
        %dma_wait3A_337 = tpu.memref_slice %arg5[%dma_wait3A_335, %dma_wait3A_336] : memref<1440x128xf32, #tpu.memory_space<vmem_shared>> -> memref<1440x128xf32, #tpu.memory_space<vmem_shared>>
        tpu.wait_indirect_dma semaphore(%arg6 : memref<!tpu.dma_semaphore, #tpu.memory_space<semaphore_mem>>) src(%dma_wait3A_337 : memref<1440x128xf32, #tpu.memory_space<vmem_shared>>) dst(%dma_wait3A_326 : memref<128x128xf32, #tpu.memory_space<vmem>>)
        %dma_wait3A_338 = arith.constant 0 : i32
        %dma_wait3A_339 = arith.constant 0 : i32
        %dma_wait3A_340 = arith.constant 0 : i32
        %dma_wait3A_341 = arith.constant 0 : i32
        %dma_wait3A_342 = arith.constant 0 : i32
        %dma_wait3A_343 = arith.constant 0 : i32
        %dma_wait3A_344 = tpu.memref_slice %run_scoped3A_10[%rem3A_222, %dma_wait3A_341, %dma_wait3A_342, %dma_wait3A_343] : memref<2x2x200x128xf32, #tpu.memory_space<vmem>> -> memref<1x2x200x128xf32, #tpu.memory_space<vmem>>
        %dma_wait3A_345 = tpu.memref_squeeze %dma_wait3A_344 : memref<1x2x200x128xf32, #tpu.memory_space<vmem>> -> memref<2x200x128xf32, #tpu.memory_space<vmem>>
        %dma_wait3A_346 = arith.constant 128 : i32
        %dma_wait3A_347 = arith.constant 0 : i32
        %dma_wait3A_348 = tpu.memref_slice %dma_wait3A_345[%dma_wait3A_340, %dma_wait3A_346, %dma_wait3A_347] : memref<2x200x128xf32, #tpu.memory_space<vmem>> -> memref<1x72x128xf32, #tpu.memory_space<vmem>>
        %dma_wait3A_349 = tpu.memref_squeeze %dma_wait3A_348 : memref<1x72x128xf32, #tpu.memory_space<vmem>> -> memref<72x128xf32, #tpu.memory_space<vmem>>
        %dma_wait3A_350 = arith.constant 0 : i32
        %dma_wait3A_351 = arith.constant 0 : i32
        %dma_wait3A_352 = arith.constant 0 : i32
        %dma_wait3A_353 = tpu.memref_slice %run_scoped3A[%rem3A_220, %dma_wait3A_350, %dma_wait3A_351, %dma_wait3A_352] : memref<2x1x2x200xi32, #tpu.memory_space<vmem>> -> memref<1x1x2x200xi32, #tpu.memory_space<vmem>>
        %dma_wait3A_354 = tpu.memref_squeeze %dma_wait3A_353 : memref<1x1x2x200xi32, #tpu.memory_space<vmem>> -> memref<1x2x200xi32, #tpu.memory_space<vmem>>
        %dma_wait3A_355 = arith.constant 128 : i32
        %dma_wait3A_356 = tpu.memref_slice %dma_wait3A_354[%dma_wait3A_338, %dma_wait3A_339, %dma_wait3A_355] : memref<1x2x200xi32, #tpu.memory_space<vmem>> -> memref<1x1x72xi32, #tpu.memory_space<vmem>>
        %dma_wait3A_357 = tpu.memref_squeeze %dma_wait3A_356 : memref<1x1x72xi32, #tpu.memory_space<vmem>> -> memref<72xi32, #tpu.memory_space<vmem>>
        %dma_wait3A_358 = arith.constant 0 : i32
        %dma_wait3A_359 = arith.constant 0 : i32
        %dma_wait3A_360 = tpu.memref_slice %arg5[%dma_wait3A_358, %dma_wait3A_359] : memref<1440x128xf32, #tpu.memory_space<vmem_shared>> -> memref<1440x128xf32, #tpu.memory_space<vmem_shared>>
        tpu.wait_indirect_dma semaphore(%arg6 : memref<!tpu.dma_semaphore, #tpu.memory_space<semaphore_mem>>) src(%dma_wait3A_360 : memref<1440x128xf32, #tpu.memory_space<vmem_shared>>) dst(%dma_wait3A_349 : memref<72x128xf32, #tpu.memory_space<vmem>>)
        %dma_wait3A_361 = arith.constant 0 : i32
        %dma_wait3A_362 = arith.constant 1 : i32
        %dma_wait3A_363 = arith.constant 1 : i32
        %dma_wait3A_364 = arith.constant 0 : i32
        %dma_wait3A_365 = arith.constant 0 : i32
        %dma_wait3A_366 = arith.constant 0 : i32
        %dma_wait3A_367 = tpu.memref_slice %run_scoped3A_10[%rem3A_222, %dma_wait3A_364, %dma_wait3A_365, %dma_wait3A_366] : memref<2x2x200x128xf32, #tpu.memory_space<vmem>> -> memref<1x2x200x128xf32, #tpu.memory_space<vmem>>
        %dma_wait3A_368 = tpu.memref_squeeze %dma_wait3A_367 : memref<1x2x200x128xf32, #tpu.memory_space<vmem>> -> memref<2x200x128xf32, #tpu.memory_space<vmem>>
        %dma_wait3A_369 = arith.constant 0 : i32
        %dma_wait3A_370 = arith.constant 0 : i32
        %dma_wait3A_371 = tpu.memref_slice %dma_wait3A_368[%dma_wait3A_363, %dma_wait3A_369, %dma_wait3A_370] : memref<2x200x128xf32, #tpu.memory_space<vmem>> -> memref<1x128x128xf32, #tpu.memory_space<vmem>>
        %dma_wait3A_372 = tpu.memref_squeeze %dma_wait3A_371 : memref<1x128x128xf32, #tpu.memory_space<vmem>> -> memref<128x128xf32, #tpu.memory_space<vmem>>
        %dma_wait3A_373 = arith.constant 0 : i32
        %dma_wait3A_374 = arith.constant 0 : i32
        %dma_wait3A_375 = arith.constant 0 : i32
        %dma_wait3A_376 = tpu.memref_slice %run_scoped3A[%rem3A_220, %dma_wait3A_373, %dma_wait3A_374, %dma_wait3A_375] : memref<2x1x2x200xi32, #tpu.memory_space<vmem>> -> memref<1x1x2x200xi32, #tpu.memory_space<vmem>>
        %dma_wait3A_377 = tpu.memref_squeeze %dma_wait3A_376 : memref<1x1x2x200xi32, #tpu.memory_space<vmem>> -> memref<1x2x200xi32, #tpu.memory_space<vmem>>
        %dma_wait3A_378 = arith.constant 0 : i32
        %dma_wait3A_379 = tpu.memref_slice %dma_wait3A_377[%dma_wait3A_361, %dma_wait3A_362, %dma_wait3A_378] : memref<1x2x200xi32, #tpu.memory_space<vmem>> -> memref<1x1x128xi32, #tpu.memory_space<vmem>>
        %dma_wait3A_380 = tpu.memref_squeeze %dma_wait3A_379 : memref<1x1x128xi32, #tpu.memory_space<vmem>> -> memref<128xi32, #tpu.memory_space<vmem>>
        %dma_wait3A_381 = arith.constant 0 : i32
        %dma_wait3A_382 = arith.constant 0 : i32
        %dma_wait3A_383 = tpu.memref_slice %arg5[%dma_wait3A_381, %dma_wait3A_382] : memref<1440x128xf32, #tpu.memory_space<vmem_shared>> -> memref<1440x128xf32, #tpu.memory_space<vmem_shared>>
        tpu.wait_indirect_dma semaphore(%arg6 : memref<!tpu.dma_semaphore, #tpu.memory_space<semaphore_mem>>) src(%dma_wait3A_383 : memref<1440x128xf32, #tpu.memory_space<vmem_shared>>) dst(%dma_wait3A_372 : memref<128x128xf32, #tpu.memory_space<vmem>>)
        %dma_wait3A_384 = arith.constant 0 : i32
        %dma_wait3A_385 = arith.constant 1 : i32
        %dma_wait3A_386 = arith.constant 1 : i32
        %dma_wait3A_387 = arith.constant 0 : i32
        %dma_wait3A_388 = arith.constant 0 : i32
        %dma_wait3A_389 = arith.constant 0 : i32
        %dma_wait3A_390 = tpu.memref_slice %run_scoped3A_10[%rem3A_222, %dma_wait3A_387, %dma_wait3A_388, %dma_wait3A_389] : memref<2x2x200x128xf32, #tpu.memory_space<vmem>> -> memref<1x2x200x128xf32, #tpu.memory_space<vmem>>
        %dma_wait3A_391 = tpu.memref_squeeze %dma_wait3A_390 : memref<1x2x200x128xf32, #tpu.memory_space<vmem>> -> memref<2x200x128xf32, #tpu.memory_space<vmem>>
        %dma_wait3A_392 = arith.constant 128 : i32
        %dma_wait3A_393 = arith.constant 0 : i32
        %dma_wait3A_394 = tpu.memref_slice %dma_wait3A_391[%dma_wait3A_386, %dma_wait3A_392, %dma_wait3A_393] : memref<2x200x128xf32, #tpu.memory_space<vmem>> -> memref<1x72x128xf32, #tpu.memory_space<vmem>>
        %dma_wait3A_395 = tpu.memref_squeeze %dma_wait3A_394 : memref<1x72x128xf32, #tpu.memory_space<vmem>> -> memref<72x128xf32, #tpu.memory_space<vmem>>
        %dma_wait3A_396 = arith.constant 0 : i32
        %dma_wait3A_397 = arith.constant 0 : i32
        %dma_wait3A_398 = arith.constant 0 : i32
        %dma_wait3A_399 = tpu.memref_slice %run_scoped3A[%rem3A_220, %dma_wait3A_396, %dma_wait3A_397, %dma_wait3A_398] : memref<2x1x2x200xi32, #tpu.memory_space<vmem>> -> memref<1x1x2x200xi32, #tpu.memory_space<vmem>>
        %dma_wait3A_400 = tpu.memref_squeeze %dma_wait3A_399 : memref<1x1x2x200xi32, #tpu.memory_space<vmem>> -> memref<1x2x200xi32, #tpu.memory_space<vmem>>
        %dma_wait3A_401 = arith.constant 128 : i32
        %dma_wait3A_402 = tpu.memref_slice %dma_wait3A_400[%dma_wait3A_384, %dma_wait3A_385, %dma_wait3A_401] : memref<1x2x200xi32, #tpu.memory_space<vmem>> -> memref<1x1x72xi32, #tpu.memory_space<vmem>>
        %dma_wait3A_403 = tpu.memref_squeeze %dma_wait3A_402 : memref<1x1x72xi32, #tpu.memory_space<vmem>> -> memref<72xi32, #tpu.memory_space<vmem>>
        %dma_wait3A_404 = arith.constant 0 : i32
        %dma_wait3A_405 = arith.constant 0 : i32
        %dma_wait3A_406 = tpu.memref_slice %arg5[%dma_wait3A_404, %dma_wait3A_405] : memref<1440x128xf32, #tpu.memory_space<vmem_shared>> -> memref<1440x128xf32, #tpu.memory_space<vmem_shared>>
        tpu.wait_indirect_dma semaphore(%arg6 : memref<!tpu.dma_semaphore, #tpu.memory_space<semaphore_mem>>) src(%dma_wait3A_406 : memref<1440x128xf32, #tpu.memory_space<vmem_shared>>) dst(%dma_wait3A_395 : memref<72x128xf32, #tpu.memory_space<vmem>>)
        "tpu.trace_stop"() : () -> ()
        %ne3A_407 = arith.cmpi ne, %add3A_142, %add3A_160 : i32
        %or3A_408 = arith.constant false
        %or3A_409 = arith.ori %or3A_408, %ne3A_407 : i1
        %or3A_410 = arith.constant false
        %or3A_411 = arith.ori %or3A_409, %or3A_410 : i1
        %or3A_412 = arith.constant false
        %or3A_413 = arith.ori %or3A_411, %or3A_412 : i1
        %or3A_414 = arith.ori %or3A_413, %eq3A_141 : i1
        %convert_element_type3A_415 = arith.extui %or3A_414 : i1 to i32
        %cond3A_416 = arith.constant 0 : i32
        %cond3A_417 = arith.cmpi ne, %convert_element_type3A_415, %cond3A_416 : i32
        scf.if %cond3A_417 {
        } else {
        }
        %and3A_418 = arith.constant false
        %and3A_419 = arith.andi %or3A_414, %and3A_418 : i1
        %ne3A_420 = arith.cmpi ne, %add3A_142, %add3A_160 : i32
        %or3A_421 = arith.constant false
        %or3A_422 = arith.ori %or3A_421, %ne3A_420 : i1
        %or3A_423 = arith.constant false
        %or3A_424 = arith.ori %or3A_422, %or3A_423 : i1
        %or3A_425 = arith.constant false
        %or3A_426 = arith.ori %or3A_424, %or3A_425 : i1
        %or3A_427 = arith.ori %or3A_426, %eq3A_141 : i1
        %convert_element_type3A_428 = arith.extui %or3A_427 : i1 to i32
        %cond3A_429 = arith.constant 0 : i32
        %cond3A_430 = arith.cmpi ne, %convert_element_type3A_428, %cond3A_429 : i32
        scf.if %cond3A_430 {
          "tpu.trace_start"() <{level = 10 : i32, message = "ep_copy_out"}> : () -> ()
          %rem3A_488 = arith.constant 2 : i32
          %rem3A_489 = arith.remui %scan3A_135, %rem3A_488 : i32
          %mul3A_490 = arith.constant 2 : i32
          %mul3A_491 = arith.muli %mul3A_490, %add3A_142 : i32
          %dma_start3A_492 = arith.constant 0 : i32
          %dma_start3A_493 = arith.constant 0 : i32
          %dma_start3A_494 = arith.constant 0 : i32
          %dma_start3A_495 = tpu.memref_slice %run_scoped3A_10[%rem3A_489, %dma_start3A_492, %dma_start3A_493, %dma_start3A_494] : memref<2x2x200x128xf32, #tpu.memory_space<vmem>> -> memref<1x2x200x128xf32, #tpu.memory_space<vmem>>
          %dma_start3A_496 = tpu.memref_squeeze %dma_start3A_495 : memref<1x2x200x128xf32, #tpu.memory_space<vmem>> -> memref<2x200x128xf32, #tpu.memory_space<vmem>>
          %dma_start3A_497 = arith.constant 0 : i32
          %dma_start3A_498 = arith.constant 0 : i32
          %dma_start3A_499 = tpu.memref_slice %arg4[%mul3A_491, %dma_start3A_497, %dma_start3A_498] : memref<16384x200x128xf32, #tpu.memory_space<hbm>> -> memref<2x200x128xf32, #tpu.memory_space<hbm>>
          %dma_start3A_500 = tpu.memref_slice %run_scoped3A_11[%rem3A_489] : memref<2x!tpu.dma_semaphore, #tpu.memory_space<semaphore_mem>> -> memref<1x!tpu.dma_semaphore, #tpu.memory_space<semaphore_mem>>
          %dma_start3A_501 = tpu.memref_squeeze %dma_start3A_500 : memref<1x!tpu.dma_semaphore, #tpu.memory_space<semaphore_mem>> -> memref<!tpu.dma_semaphore, #tpu.memory_space<semaphore_mem>>
          %dma_start3A_502 = arith.constant 0 : i32
          %dma_start3A_503 = arith.constant 0 : i32
          %dma_start3A_504 = tpu.memref_slice %arg4[%mul3A_491, %dma_start3A_502, %dma_start3A_503] : memref<16384x200x128xf32, #tpu.memory_space<hbm>> -> memref<2x200x128xf32, #tpu.memory_space<hbm>>
          %dma_start3A_505 = arith.constant 0 : i32
          %dma_start3A_506 = arith.constant 0 : i32
          %dma_start3A_507 = arith.constant 0 : i32
          %dma_start3A_508 = tpu.memref_slice %run_scoped3A_10[%rem3A_489, %dma_start3A_505, %dma_start3A_506, %dma_start3A_507] : memref<2x2x200x128xf32, #tpu.memory_space<vmem>> -> memref<1x2x200x128xf32, #tpu.memory_space<vmem>>
          %dma_start3A_509 = tpu.memref_squeeze %dma_start3A_508 : memref<1x2x200x128xf32, #tpu.memory_space<vmem>> -> memref<2x200x128xf32, #tpu.memory_space<vmem>>
          tpu.enqueue_dma source(%dma_start3A_509 : memref<2x200x128xf32, #tpu.memory_space<vmem>>) target(%dma_start3A_504 : memref<2x200x128xf32, #tpu.memory_space<hbm>>) target_semaphore(%dma_start3A_501 : memref<!tpu.dma_semaphore, #tpu.memory_space<semaphore_mem>>)
          "tpu.trace_stop"() : () -> ()
        } else {
        }
        %and3A_431 = arith.constant true
        %and3A_432 = arith.andi %or3A_427, %and3A_431 : i1
        %add3A_433 = arith.constant 1 : i32
        %add3A_434 = arith.addi %scan3A_135, %add3A_433 : i32
        %select_n3A_435 = arith.select %and3A_432, %add3A_434, %scan3A_135 : i32
        %ne3A_436 = arith.cmpi ne, %add3A_142, %add3A_151 : i32
        %or3A_437 = arith.constant false
        %or3A_438 = arith.ori %or3A_437, %ne3A_436 : i1
        %or3A_439 = arith.constant false
        %or3A_440 = arith.ori %or3A_438, %or3A_439 : i1
        %or3A_441 = arith.constant false
        %or3A_442 = arith.ori %or3A_440, %or3A_441 : i1
        %not3A_443 = arith.constant true
        %not3A_444 = arith.xori %eq3A_139, %not3A_443 : i1
        %and3A_445 = arith.andi %or3A_442, %not3A_444 : i1
        %convert_element_type3A_446 = arith.extui %and3A_445 : i1 to i32
        %cond3A_447 = arith.constant 0 : i32
        %cond3A_448 = arith.cmpi ne, %convert_element_type3A_446, %cond3A_447 : i32
        scf.if %cond3A_448 {
        } else {
        }
        %and3A_449 = arith.constant false
        %and3A_450 = arith.andi %and3A_445, %and3A_449 : i1
        %ne3A_451 = arith.cmpi ne, %add3A_142, %add3A_151 : i32
        %or3A_452 = arith.constant false
        %or3A_453 = arith.ori %or3A_452, %ne3A_451 : i1
        %or3A_454 = arith.constant false
        %or3A_455 = arith.ori %or3A_453, %or3A_454 : i1
        %or3A_456 = arith.constant false
        %or3A_457 = arith.ori %or3A_455, %or3A_456 : i1
        %not3A_458 = arith.constant true
        %not3A_459 = arith.xori %eq3A_139, %not3A_458 : i1
        %and3A_460 = arith.andi %or3A_457, %not3A_459 : i1
        %convert_element_type3A_461 = arith.extui %and3A_460 : i1 to i32
        %cond3A_462 = arith.constant 0 : i32
        %cond3A_463 = arith.cmpi ne, %convert_element_type3A_461, %cond3A_462 : i32
        scf.if %cond3A_463 {
          "tpu.trace_start"() <{level = 10 : i32, message = "ep_wait_out"}> : () -> ()
          %rem3A_488 = arith.constant 2 : i32
          %rem3A_489 = arith.remui %scan3A_136, %rem3A_488 : i32
          %mul3A_490 = arith.constant 2 : i32
          %mul3A_491 = arith.muli %mul3A_490, %add3A_151 : i32
          %dma_wait3A_492 = arith.constant 0 : i32
          %dma_wait3A_493 = arith.constant 0 : i32
          %dma_wait3A_494 = arith.constant 0 : i32
          %dma_wait3A_495 = tpu.memref_slice %run_scoped3A_10[%rem3A_489, %dma_wait3A_492, %dma_wait3A_493, %dma_wait3A_494] : memref<2x2x200x128xf32, #tpu.memory_space<vmem>> -> memref<1x2x200x128xf32, #tpu.memory_space<vmem>>
          %dma_wait3A_496 = tpu.memref_squeeze %dma_wait3A_495 : memref<1x2x200x128xf32, #tpu.memory_space<vmem>> -> memref<2x200x128xf32, #tpu.memory_space<vmem>>
          %dma_wait3A_497 = arith.constant 0 : i32
          %dma_wait3A_498 = arith.constant 0 : i32
          %dma_wait3A_499 = tpu.memref_slice %arg4[%mul3A_491, %dma_wait3A_497, %dma_wait3A_498] : memref<16384x200x128xf32, #tpu.memory_space<hbm>> -> memref<2x200x128xf32, #tpu.memory_space<hbm>>
          %dma_wait3A_500 = tpu.memref_slice %run_scoped3A_11[%rem3A_489] : memref<2x!tpu.dma_semaphore, #tpu.memory_space<semaphore_mem>> -> memref<1x!tpu.dma_semaphore, #tpu.memory_space<semaphore_mem>>
          %dma_wait3A_501 = tpu.memref_squeeze %dma_wait3A_500 : memref<1x!tpu.dma_semaphore, #tpu.memory_space<semaphore_mem>> -> memref<!tpu.dma_semaphore, #tpu.memory_space<semaphore_mem>>
          %dma_wait3A_502 = arith.constant 0 : i32
          %dma_wait3A_503 = arith.constant 0 : i32
          %dma_wait3A_504 = tpu.memref_slice %arg4[%mul3A_491, %dma_wait3A_502, %dma_wait3A_503] : memref<16384x200x128xf32, #tpu.memory_space<hbm>> -> memref<2x200x128xf32, #tpu.memory_space<hbm>>
          %dma_wait3A_505 = arith.constant 0 : i32
          %dma_wait3A_506 = arith.constant 0 : i32
          %dma_wait3A_507 = arith.constant 0 : i32
          %dma_wait3A_508 = tpu.memref_slice %run_scoped3A_10[%rem3A_489, %dma_wait3A_505, %dma_wait3A_506, %dma_wait3A_507] : memref<2x2x200x128xf32, #tpu.memory_space<vmem>> -> memref<1x2x200x128xf32, #tpu.memory_space<vmem>>
          %dma_wait3A_509 = tpu.memref_squeeze %dma_wait3A_508 : memref<1x2x200x128xf32, #tpu.memory_space<vmem>> -> memref<2x200x128xf32, #tpu.memory_space<vmem>>
          tpu.wait_dma2 semaphore(%dma_wait3A_501 : memref<!tpu.dma_semaphore, #tpu.memory_space<semaphore_mem>>) src(%dma_wait3A_509 : memref<2x200x128xf32, #tpu.memory_space<vmem>>) dst(%dma_wait3A_504 : memref<2x200x128xf32, #tpu.memory_space<hbm>>)
          "tpu.trace_stop"() : () -> ()
        } else {
        }
        %and3A_464 = arith.constant true
        %and3A_465 = arith.andi %and3A_460, %and3A_464 : i1
        %add3A_466 = arith.constant 1 : i32
        %add3A_467 = arith.addi %scan3A_136, %add3A_466 : i32
        %select_n3A_468 = arith.select %and3A_465, %add3A_467, %scan3A_136 : i32
        %ne3A_469 = arith.cmpi ne, %add3A_142, %add3A_160 : i32
        %or3A_470 = arith.constant false
        %or3A_471 = arith.ori %or3A_470, %ne3A_469 : i1
        %or3A_472 = arith.constant false
        %or3A_473 = arith.ori %or3A_471, %or3A_472 : i1
        %or3A_474 = arith.constant false
        %or3A_475 = arith.ori %or3A_473, %or3A_474 : i1
        %or3A_476 = arith.ori %or3A_475, %eq3A_141 : i1
        %add3A_477 = arith.constant 1 : i32
        %add3A_478 = arith.addi %scan3A_134, %add3A_477 : i32
        %select_n3A_479 = arith.select %or3A_476, %add3A_478, %scan3A_134 : i32
        %add3A_480 = arith.constant 1 : i32
        %add3A_481 = arith.addi %scan3A_137, %add3A_480 : i32
        %select_n3A_482 = arith.constant true
        %select_n3A_483 = arith.select %select_n3A_482, %add3A_481, %scan3A_137 : i32
        %eq3A_484 = arith.constant 256 : i32
        %eq3A_485 = arith.cmpi eq, %select_n3A_483, %eq3A_484 : i32
        %select_n3A_486 = arith.constant 0 : i32
        %select_n3A_487 = arith.select %eq3A_485, %select_n3A_486, %select_n3A_483 : i32
        scf.yield %select_n3A_184, %select_n3A_479, %select_n3A_435, %select_n3A_468, %select_n3A_487 : i32, i32, i32, i32, i32
      }
      %scan3A_75 = arith.constant 256 : i32
      %sub3A = arith.constant 1 : i32
      %sub3A_76 = arith.subi %scan3A_74#4, %sub3A : i32
      %select_n3A_77 = arith.constant true
      %select_n3A_78 = arith.select %select_n3A_77, %sub3A_76, %scan3A_74#4 : i32
      %eq3A_79 = arith.constant -1 : i32
      %eq3A_80 = arith.cmpi eq, %select_n3A_78, %eq3A_79 : i32
      %select_n3A_81 = arith.constant 255 : i32
      %select_n3A_82 = arith.select %eq3A_80, %select_n3A_81, %select_n3A_78 : i32
      %add3A_83 = arith.addi %select_n3A_82, %mul3A_8 : i32
      %sub3A_84 = arith.constant 1 : i32
      %sub3A_85 = arith.subi %select_n3A_82, %sub3A_84 : i32
      %select_n3A_86 = arith.constant true
      %select_n3A_87 = arith.select %select_n3A_86, %sub3A_85, %select_n3A_82 : i32
      %eq3A_88 = arith.constant -1 : i32
      %eq3A_89 = arith.cmpi eq, %select_n3A_87, %eq3A_88 : i32
      %select_n3A_90 = arith.constant 255 : i32
      %select_n3A_91 = arith.select %eq3A_89, %select_n3A_90, %select_n3A_87 : i32
      %add3A_92 = arith.addi %select_n3A_91, %mul3A_8 : i32
      %add3A_93 = arith.constant 1 : i32
      %add3A_94 = arith.addi %select_n3A_82, %add3A_93 : i32
      %select_n3A_95 = arith.constant true
      %select_n3A_96 = arith.select %select_n3A_95, %add3A_94, %select_n3A_82 : i32
      %eq3A_97 = arith.constant 256 : i32
      %eq3A_98 = arith.cmpi eq, %select_n3A_96, %eq3A_97 : i32
      %select_n3A_99 = arith.constant 0 : i32
      %select_n3A_100 = arith.select %eq3A_98, %select_n3A_99, %select_n3A_96 : i32
      %add3A_101 = arith.addi %select_n3A_100, %mul3A_8 : i32
      %add3A_102 = arith.constant 1 : i32
      %add3A_103 = arith.addi %select_n3A_100, %add3A_102 : i32
      %select_n3A_104 = arith.constant true
      %select_n3A_105 = arith.select %select_n3A_104, %add3A_103, %select_n3A_100 : i32
      %eq3A_106 = arith.constant 256 : i32
      %eq3A_107 = arith.cmpi eq, %select_n3A_105, %eq3A_106 : i32
      %select_n3A_108 = arith.constant 0 : i32
      %select_n3A_109 = arith.select %eq3A_107, %select_n3A_108, %select_n3A_105 : i32
      %add3A_110 = arith.addi %select_n3A_109, %mul3A_8 : i32
      "tpu.trace_start"() <{level = 10 : i32, message = "ep_finalize"}> : () -> ()
      %rem3A_111 = arith.constant 2 : i32
      %rem3A_112 = arith.remui %scan3A_74#3, %rem3A_111 : i32
      %mul3A_113 = arith.constant 2 : i32
      %mul3A_114 = arith.muli %mul3A_113, %add3A_83 : i32
      %dma_wait3A = arith.constant 0 : i32
      %dma_wait3A_115 = arith.constant 0 : i32
      %dma_wait3A_116 = arith.constant 0 : i32
      %dma_wait3A_117 = tpu.memref_slice %run_scoped3A_10[%rem3A_112, %dma_wait3A, %dma_wait3A_115, %dma_wait3A_116] : memref<2x2x200x128xf32, #tpu.memory_space<vmem>> -> memref<1x2x200x128xf32, #tpu.memory_space<vmem>>
      %dma_wait3A_118 = tpu.memref_squeeze %dma_wait3A_117 : memref<1x2x200x128xf32, #tpu.memory_space<vmem>> -> memref<2x200x128xf32, #tpu.memory_space<vmem>>
      %dma_wait3A_119 = arith.constant 0 : i32
      %dma_wait3A_120 = arith.constant 0 : i32
      %dma_wait3A_121 = tpu.memref_slice %arg4[%mul3A_114, %dma_wait3A_119, %dma_wait3A_120] : memref<16384x200x128xf32, #tpu.memory_space<hbm>> -> memref<2x200x128xf32, #tpu.memory_space<hbm>>
      %dma_wait3A_122 = tpu.memref_slice %run_scoped3A_11[%rem3A_112] : memref<2x!tpu.dma_semaphore, #tpu.memory_space<semaphore_mem>> -> memref<1x!tpu.dma_semaphore, #tpu.memory_space<semaphore_mem>>
      %dma_wait3A_123 = tpu.memref_squeeze %dma_wait3A_122 : memref<1x!tpu.dma_semaphore, #tpu.memory_space<semaphore_mem>> -> memref<!tpu.dma_semaphore, #tpu.memory_space<semaphore_mem>>
      %dma_wait3A_124 = arith.constant 0 : i32
      %dma_wait3A_125 = arith.constant 0 : i32
      %dma_wait3A_126 = tpu.memref_slice %arg4[%mul3A_114, %dma_wait3A_124, %dma_wait3A_125] : memref<16384x200x128xf32, #tpu.memory_space<hbm>> -> memref<2x200x128xf32, #tpu.memory_space<hbm>>
      %dma_wait3A_127 = arith.constant 0 : i32
      %dma_wait3A_128 = arith.constant 0 : i32
      %dma_wait3A_129 = arith.constant 0 : i32
      %dma_wait3A_130 = tpu.memref_slice %run_scoped3A_10[%rem3A_112, %dma_wait3A_127, %dma_wait3A_128, %dma_wait3A_129] : memref<2x2x200x128xf32, #tpu.memory_space<vmem>> -> memref<1x2x200x128xf32, #tpu.memory_space<vmem>>
      %dma_wait3A_131 = tpu.memref_squeeze %dma_wait3A_130 : memref<1x2x200x128xf32, #tpu.memory_space<vmem>> -> memref<2x200x128xf32, #tpu.memory_space<vmem>>
      tpu.wait_dma2 semaphore(%dma_wait3A_123 : memref<!tpu.dma_semaphore, #tpu.memory_space<semaphore_mem>>) src(%dma_wait3A_131 : memref<2x200x128xf32, #tpu.memory_space<vmem>>) dst(%dma_wait3A_126 : memref<2x200x128xf32, #tpu.memory_space<hbm>>)
      "tpu.trace_stop"() : () -> ()
      tpu.yield
    }) : () -> ()
    return
  }
}

</mosaic_0001>

<sc_bundles>
// kernel: kernel.3.cloned.1.call-start
scs
__scs_entry_jumppad:
0x0: {  	(pc) =	sbr.rel $0x88, $3  }
0x1: {  	(tag) =	ssettag $0x0;
	lr =	simm.s32 $0x1  }
0x2: {  	[smem:$0x3F9F] =	sst lr;
	_ =	strace $0xD0000000  }
0x3: {  	_ = 	snop  }
0x4: {  	_ = 	snop  }
0x5: {  	_ = 	snop  }
0x6: {  	_ = 	snop  }
0x7: {  	_ = 	snop  }
__scs_overlays_trampoline_lowered:
0x8: {  	[smem:$0x3FAE] =	sst s0  }
0x9: {  	[smem:$0x3FAF] =	sst s1  }
0xa: {  	[smem:$0x3FB0] =	sst s2  }
0xb: {  	[smem:$0x3FB1] =	sst s3  }
0xc: {  	[smem:$0x3FB2] =	sst s4  }
0xd: {  	[smem:$0x3FB3] =	sst s5  }
0xe: {  	[smem:$0x3FB4] =	sst s6  }
0xf: {  	[smem:$0x3FB5] =	sst s7  }
0x10: {  	[smem:$0x3FB6] =	sst s8  }
0x11: {  	[smem:$0x3FB7] =	sst s9;
	s0 =	simm.s32 @!p0 $0x0  }
0x12: {  	s1 =	sld [smem:$0x3F9D];
	s0 =	simm.s32 @p0 $0x1  }
0x13: {  	[smem:$0x3FB8] =	sst s0;
	s0 =	simm.s32 @!p1 $0x0  }
0x14: {  	s2 =	sld [smem:$0x3F9C];
	s0 =	simm.s32 @p1 $0x1  }
0x15: {  	[smem:$0x3FB9] =	sst s0;
	s0 =	simm.s32 @!p2 $0x0  }
0x16: {  	s3 =	sld [smem:$0x3FDB];
	s0 =	simm.s32 @p2 $0x1  }
0x17: {  	s4 =	simm.s32 $0x1BF5;
	[smem:$0x3FBB] =	sst s0  }
0x18: {  	s0 =	sld [smem:$0x3F9E];
	_ =	swait.ge [sflag:s4], $0x0  }
0x19: {  	s7 =	sld [smem:$0x3F9F]  }
0x1a: {  	s8 =	sadd.s32 $0xFFFFE003, lr  }
0x1b: {  	s9 =	sadd.s32 $0xFFFFFEF7, lr;
	s5 =	simm.s32 $0xFFFFFFFF;
	p2 =	slt.u32 s8, $0xFFFFF086  }
0x1c: {  	p1 =	slt.u32 s9, $0xF7A;
	s5 =	simm.s32 @!p2 $0x0  }
0x1d: {  	s5 =	simm.s32 @p1 $0x1;
	p0 =	seq.s32 s7, s2  }
0x1e: {  	s7 =	smul.u32 @!p0 $0xF7A, s2;
	p2 =	seq.s32 @!p0 s5, $0x0  }
0x1f: {  	s9 =	smul.u32 $0xF7A, s1;
	s8 =	simm.s32 @!p0 $0x1BF5;
	p2 =	por !p2, p0  }
0x20: {  	[sflag:s8] =	ssyncset.s32 @!p0 $0xFFFFF086;
	s6 =	sadd.s32 @!p0 s3, s7;
	s7 =	simm.s32 @!p0 $0x108  }
0x21: {  	s3 =	sadd.s32 s3, s9;
	s6 =	sadd.s32 @!p0 $0x88, s6;
	s7 =	simm.s32 @p2 $0x1082  }
0x22: {  	[simem:s7], [sflag:s8] =	dma.local @!p0 [hbm:s6], $0xF7A  }
0x23: {  	s9 =	sor.u32 $0xD0000000, s2;
	s6 =	simm.s32 $0x108;
	_ =	swait.ge @!p0 [sflag:s8], $0x0  }
0x24: {  	s3 =	sadd.s32 $0x88, s3;
	s6 =	simm.s32 @!p1 $0x1082;
	[sflag:s4] =	ssyncset.s32 $0xFFFFF086  }
0x25: {  	[simem:s6], [sflag:s4] =	dma.local [hbm:s3], $0xF7A  }
0x26: {  	[smem:$0x3F9F] =	sst s1;
	(tag) =	ssettag s2;
	_ =	strace s9  }
0x27: {  	s1 =	sld [smem:$0x3FAF]  }
0x28: {  	s2 =	sld [smem:$0x3FB0]  }
0x29: {  	s4 =	sld [smem:$0x3FB2]  }
0x2a: {  	p0 =	seq.s32 s5, $0x0;
	s5 =	sld [smem:$0x3FB3]  }
0x2b: {  	s6 =	sld [smem:$0x3FB4]  }
0x2c: {  	s7 =	sld [smem:$0x3FB5]  }
0x2d: {  	s3 =	simm.s32 $0x108;
	s8 =	sld [smem:$0x3FB6]  }
0x2e: {  	s3 =	simm.s32 @!p0 $0x1082;
	s9 =	sld [smem:$0x3FB7]  }
0x2f: {  	lr =	sadd.s32 s0, s3;
	s0 =	sld [smem:$0x3FAE]  }
0x30: {  	s3 =	sld [smem:$0x3FB1]  }
0x31: {  	[smem:$0x3FBA] =	sst s10  }
0x32: {  	s10 =	sld [smem:$0x3FB8];
	_ =	sdelay $0x3  }
0x33: {  	p0 =	seq.s32 s10, $0x1;
	s10 =	sld [smem:$0x3FBA];
	_ =	sdelay $0x3  }
0x34: {  	[smem:$0x3FBA] =	sst s10  }
0x35: {  	s10 =	sld [smem:$0x3FB9];
	_ =	sdelay $0x3  }
0x36: {  	p1 =	seq.s32 s10, $0x1;
	s10 =	sld [smem:$0x3FBA];
	_ =	sdelay $0x3  }
0x37: {  	[smem:$0x3FBA] =	sst s10  }
0x38: {  	s10 =	sld [smem:$0x3FBB]  }
0x39: {  	_ = 	snop;
	(pc) =	sbr.ind lr, $3  }
0x3a: {  	_ = 	snop  }
0x3b: {  	_ = 	snop  }
0x3c: {  	p2 =	seq.s32 s10, $0x1;
	s10 =	sld [smem:$0x3FBA]  }
0x3d: {  	_ =	shalt  }
0x3e: {  	_ =	shalt  }
0x3f: {  	_ =	shalt  }
0x40: {  	_ =	shalt  }
0x41: {  	_ =	shalt  }
0x42: {  	_ =	shalt  }
0x43: {  	_ =	shalt  }
0x44: {  	_ =	shalt  }
0x45: {  	_ =	shalt  }
0x46: {  	_ =	shalt  }
0x47: {  	_ =	shalt  }
0x48: {  	_ =	shalt  }
0x49: {  	_ =	shalt  }
0x4a: {  	_ =	shalt  }
0x4b: {  	_ =	shalt  }
0x4c: {  	_ =	shalt  }
0x4d: {  	_ =	shalt  }
0x4e: {  	_ =	shalt  }
0x4f: {  	_ =	shalt  }
0x50: {  	_ =	shalt  }
0x51: {  	_ =	shalt  }
0x52: {  	_ =	shalt  }
0x53: {  	_ =	shalt  }
0x54: {  	_ =	shalt  }
0x55: {  	_ =	shalt  }
0x56: {  	_ =	shalt  }
0x57: {  	_ =	shalt  }
0x58: {  	_ =	shalt  }
0x59: {  	_ =	shalt  }
0x5a: {  	_ =	shalt  }
0x5b: {  	_ =	shalt  }
0x5c: {  	_ =	shalt  }
0x5d: {  	_ =	shalt  }
0x5e: {  	_ =	shalt  }
0x5f: {  	_ =	shalt  }
0x60: {  	_ =	shalt  }
0x61: {  	_ =	shalt  }
0x62: {  	_ =	shalt  }
0x63: {  	_ =	shalt  }
0x64: {  	_ =	shalt  }
0x65: {  	_ =	shalt  }
0x66: {  	_ =	shalt  }
0x67: {  	_ =	shalt  }
0x68: {  	_ =	shalt  }
0x69: {  	_ =	shalt  }
0x6a: {  	_ =	shalt  }
0x6b: {  	_ =	shalt  }
0x6c: {  	_ =	shalt  }
0x6d: {  	_ =	shalt  }
0x6e: {  	_ =	shalt  }
0x6f: {  	_ =	shalt  }
0x70: {  	_ =	shalt  }
0x71: {  	_ =	shalt  }
0x72: {  	_ =	shalt  }
0x73: {  	_ =	shalt  }
0x74: {  	_ =	shalt  }
0x75: {  	_ =	shalt  }
0x76: {  	_ =	shalt  }
0x77: {  	_ =	shalt  }
0x78: {  	_ =	shalt  }
0x79: {  	_ =	shalt  }
0x7a: {  	_ =	shalt  }
0x7b: {  	_ =	shalt  }
0x7c: {  	_ =	shalt  }
0x7d: {  	_ =	shalt  }
0x7e: {  	_ =	shalt  }
0x7f: {  	_ =	shalt  }
0x80: {  	_ =	shalt  }
0x81: {  	_ =	shalt  }
0x82: {  	_ =	shalt  }
0x83: {  	_ =	shalt  }
0x84: {  	_ =	shalt  }
0x85: {  	_ =	shalt  }
0x86: {  	_ =	shalt  }
0x87: {  	_ =	shalt  }
.Lfunc_end0:
.L_simem_size_0:
called_computation.1_lowered:
.L_overlay_start_0:
0x88: {  	s2 =	sld [smem:$0x3FD9]  }
0x89: {  	s3 =	sld [smem:$0x3FFE];
	_ =	sdelay $0x1  }
0x8a: {  	s1 =	srdreg.scid  }
0x8b: {  	s0 =	sand.u32 $0x1, s1  }
0x8c: {  	s17 =	sshll.u32 s0, $0xA;
	s2 =	sadd.s32 s3, s2  }
0x8d: {  	s2 =	sadd.s32 s2, s17  }
0x8e: {  	[smem:$0x3FC6] =	sst s2  }
0x8f: {  	_ = 	snop  }
0x90: {  	s2 =	sld [smem:$0x3FD0];
	(tm) =	ssettm $0x1  }
0x91: {  	s18 =	sld [smem:$0x3FFB];
	_ =	sdelay $0x3  }
0x92: {  	_ =	strace s18  }
0x93: {  	s3 =	sld [smem:$0x3FFC];
	_ =	sdelay $0x3  }
0x94: {  	_ =	strace s3  }
0x95: {  	s3 =	sld [smem:$0x3FFD];
	_ =	sdelay $0x3  }
0x96: {  	_ =	strace s3  }
0x97: {  	_ =	strace $0x8FFFFFFF  }
0x98: {  	s19 =	sld [smem:$0x3FDB];
	_ =	sdelay $0x1  }
0x99: {  	s4 =	simm.s32 $_scs_section_size  }
0x9a: {  	s5 =	simm.s32 $_size__tile_overlayer_lowered;
	s6 =	simm.s32 $_tile_overlayer_lowered  }
0x9b: {  	s22 =	simm.s32 $0x1BFF;
	s21 =	sshll.u32 s6, $0x1;
	s3 =	sadd.s32 s4, s19  }
0x9c: {  	s7 =	simm.s32 $0x0;
	s20 =	sshll.u32 s5, $0x1;
	s5 =	sadd.s32 s21, s3  }
0x9d: {  	[timem:s7], [sflag:s22] =	dma.local [hbm:s5], s20  }
0x9e: {  	_ =	swait.ge [sflag:s22], s20  }
0x9f: {  	s4 =	ssub.s32 $0x0, s20;
	[sflag:s22] =	ssyncset.done $0x0  }
0xa0: {  	[sflag:s22] =	ssyncadd.s32 s4;
	_ =	sdelay $0x1  }
0xa1: {  	s23 =	simm.s32 $0x1B8B  }
0xa2: {  	_ =	swait.ge [sflag:s23], $0x1  }
0xa3: {  	[sflag:s23] =	ssyncset.done $0x0  }
0xa4: {  	s25 =	simm.s32 $0x1B8E;
	s24 =	sld [smem:$0x3FFE];
	[sflag:s23] =	ssyncadd.s32 $0xFFFFFFFF  }
0xa5: {  	s26 =	simm.s32 $execute0_lowered;
	[smem:$0x3FD2] =	sst s25  }
0xa6: {  	s5 =	sshll.u32 s26, $0x1;
	_ =	strace $0x80000046;
	[dreg:$0x1] =	wrdreg $0xFFFFFFFF  }
0xa7: {  	s28 =	simm.s32 $_size_execute0_lowered;
	s3 =	sadd.s32 s3, s5;
	[dreg:$0x0] =	wrdreg $0x0  }
0xa8: {  	s5 =	sshll.u32 s28, $0x1;
	[dreg:$0x2] =	wrdreg s3  }
0xa9: {  	[dreg:$0x3] =	wrdreg s5  }
0xaa: {  	[dreg:$0x4] =	wrdreg $0xC0  }
0xab: {  	_ =	task [dreg:s7], $0x5FFFF  }
0xac: {  	[dreg:$0x1] =	wrdreg $0xFFFFFFFF  }
0xad: {  	[dreg:$0x0] =	wrdreg $0x60  }
0xae: {  	[dreg:$0x2] =	wrdreg s24  }
0xaf: {  	[dreg:$0x3] =	wrdreg s2  }
0xb0: {  	[dreg:$0x4] =	wrdreg $0x0  }
0xb1: {  	[dreg:$0x5] =	wrdreg $0x9  }
0xb2: {  	_ =	task.clear_ibuf [dreg:s7], $0x6FFFF;
	_ =	strace $0x90000046  }
0xb3: {  	s29 =	simm.s32 $0x9;
	_ =	strace $0x8000004F  }
0xb4: {  	_ =	swait.ge [sflag:s29], $0x1  }
0xb5: {  	[sflag:s29] =	ssyncadd.s32 $0xFFFFFFFF  }
0xb6: {  	_ =	strace $0x9000004F  }
0xb7: {  	_ =	sfence  }
0xb8: {  	s30 =	sld [smem:$0x0];
	_ =	sdelay $0x2  }
0xb9: {  	s31 =	sshll.u32 s1, $0xD;
	s1 =	sshrl.u32 s1, $0x2  }
0xba: {  	s3 =	sand.u32 $0x4000, s31;
	s1 =	sadd.s32 s1, s30  }
0xbb: {  	s0 =	sor.u32 s3, s0;
	s1 =	sshll.u32 s1, $0x11  }
0xbc: {  	s0 =	sor.u32 s1, s0  }
0xbd: {  	s0 =	sadd.s32 $0x8F2B, s0  }
0xbe: {  	[sflag:s0] =	ssyncadd.remote.s32 $0x1  }
0xbf: {  	_ =	sfence.sel $0xFFFF  }
0xc0: {  	[dreg:$0x0] =	wrdreg $0xFFFFFFFF;
	(pc) =	sbr.abs _section_cstart, $3  }
0xc1: {  	[dreg:$0x1] =	wrdreg $0xFFFFFFFF  }
0xc2: {  	_ =	task.clear_ibuf [dreg:s7], $0x2FFFF;
	_ =	strace $0x9FFFFFFF  }
0xc3: {  	(tm) =	ssettm $0x7FFFFFFF  }
tec
execute0_lowered:
.L_overlay_start_1:
0x0: {  	(tag) =	ssettag $0x1  }
0x1: {  	s5 =	rddreg [dreg:$0x0]  }
0x2: {  	s1 =	rddreg [dreg:$0x1]  }
0x3: {  	s2 =	rddreg [dreg:$0x2];
	s3 =	simm.s32 $0x0  }
0x4: {  	s6 =	srdreg.scid;
	s8 =	stileid.u32;
	s12 =	simm.s32 $0x48  }
0x5: {  	s13 =	simm.s32 $0x0;
	[smem:$0x7FF] =	sst s3;
	s0 =	sadd.s32 $0x800, s5  }
0x6: {  	s6 =	sand.u32 $0x1, s6;
	s9 =	sshll.u32 s8, $0x8;
	s10 =	sadd.s32 $0x6200, s5  }
0x7: {  	p0 =	sne.s32 s8, $0x0;
	_ =	strace $0x80000047;
	[dreg:$0x5] =	wrdreg s0  }
0x8: {  	s7 =	ssub.s32 $0x2, s6;
	s6 =	sshll.u32 s6, $0xC;
	[dreg:$0x4] =	wrdreg s10  }
0x9: {  	s8 =	sshrl.u32 @!p0 s2, $0x3;
	s11 =	sshrl.u32 s7, $0x1;
	s5 =	sor.u32 s9, s6  }
0xa: {  	s10 =	simm.s32 $0x1;
	s7 =	ssub.s32 s7, s11;
	s6 =	sshll.u32 s5, $0x6  }
0xb: {  	s11 =	simm.s32 $0x80;
	s6 =	sadd.s32 s1, s6;
	s7 =	smax.u32 s7, $0x1  }
.LBB2_1:
0xc: {  	s14 =	simm.s32 @!p0 $0x1C02;
	s0 =	rddreg [dreg:$0x5]  }
0xd: {  	[spmem:s8], [sflag:s14] =	dma.local @!p0 [hbm:s0], $0x5A00  }
0xe: {  	s14 =	simm.s32 @!p0 $0x2  }
0xf: {  	_ =	swait.ge @!p0 [sflag:s14], $0x5A00  }
0x10: {  	[sflag:s14] =	ssyncset.done @!p0 $0x0  }
0x11: {  	p1 =	por $0x0, $0x0;
	[sflag:s14] =	ssyncadd.s32 @!p0 $0xFFFFA600;
	s14 =	simm.s32 $0x1  }
0x12: {  	s20 =	simm.s32 $0x2D00;
	[bflag:$0x0] =	sbarrier.arrive $0xFFFF;
	s14 =	simm.s32 @p1 $0x0  }
0x13: {  	p2 =	por $0x1, $0x1;
	_ =	strace $0x80000048;
	p1 =	sne.s32 s14, $0x0  }
0x14: {  	[tilespmem:s20], [sflag:$0x2] =	stream.linear.gather [hbm4b:s6+s3], $0x200, $0x200038;
	[tilespmem:$0x1C100] =	vst v63  }
0x15: {  	p2 =	por !p2, !p1  }
0x16: {  	p4 =	por !p2, !p2  }
0x17: {  	_ =	strace $0x90000048;
	s15 =	sadd.s32 @p4 s5, s14  }
0x18: {  	s16 =	sand.u32 @p4 $0x1, s10;
	_ =	strace @p4 $0x80000049;
	s15 =	sshll.u32 @p4 s15, $0x6  }
0x19: {  	s18 =	simm.s32 @p4 $0x0;
	s17 =	sshll.u32 @p4 s16, $0x9;
	s15 =	sand.u32 @p4 $0x1FFFFFC0, s15  }
0x1a: {  	s16 =	sor.u32 @p4 $0x2, s16;
	s17 =	sor.u32 @p4 $0x2D00, s17;
	s15 =	sadd.s32 @p4 s1, s15  }
0x1b: {  	[tilespmem:s17], [sflag:s16] =	stream.linear.gather @p4 [hbm4b:s15+s18], $0x200, $0x200038;
	[tilespmem:$0x1C100] =	vst v63  }
0x1c: {  	s18 =	sand.u32 $0x1, s3;
	_ =	strace @p4 $0x90000049  }
0x1d: {  	s21 =	sor.u32 $0x2, s18;
	_ =	strace $0x8000004A  }
0x1e: {  	_ =	swait.ge [sflag:s21], $0x200  }
0x1f: {  	s22 =	smul.u32 $0x32000, s18;
	[sflag:s21] =	ssyncset.done $0x0  }
0x20: {  	s23 =	simm.s32 $0x0;
	[sflag:s21] =	ssyncadd.s32 $0xFFFFFE00  }
0x21: {  	s24 =	sand.u32 $0x200, s23;
	s16 =	sshrl.u32 s22, $0x2;
	_ =	strace $0x9000004A  }
0x22: {  	s17 =	sor.u32 $0x2D00, s24;
	s22 =	sadd.s32 $0x3100, s16;
	_ =	strace $0x8000004B  }
0x23: {  	[tilespmem:s22], [sflag:$0x1] =	stream.indirect.gather [spmem:s2], $0x80, s17, s11, $0x2000b8;
	[tilespmem:$0x1C100] =	vst v63  }
0x24: {  	s19 =	sadd.s32 $0x2E00, s24;
	s25 =	sadd.s32 $0x7100, s16  }
0x25: {  	[tilespmem:s25], [sflag:$0x1] =	stream.indirect.gather [spmem:s2], $0x80, s19, s12, $0x2000b8;
	[tilespmem:$0x1C100] =	vst v63  }
0x26: {  	s31 =	sor.u32 $0x2D80, s24;
	s26 =	sadd.s32 $0x9500, s16  }
0x27: {  	[tilespmem:s26], [sflag:$0x1] =	stream.indirect.gather [spmem:s2], $0x80, s31, s11, $0x2000b8;
	[tilespmem:$0x1C100] =	vst v63  }
0x28: {  	p5 =	por $0x0, $0x0;
	s15 =	sadd.s32 $0x2E80, s24;
	s16 =	sadd.s32 $0xD500, s16  }
0x29: {  	[tilespmem:s16], [sflag:$0x1] =	stream.indirect.gather [spmem:s2], $0x80, s15, s12, $0x2000b8;
	[tilespmem:$0x1C100] =	vst v63  }
0x2a: {  	s28 =	simm.s32 $0x1;
	s20 =	sadd.s32 $0x1, s14;
	_ =	swait.ge [sflag:s10], $0x4000  }
0x2b: {  	p6 =	por p5, p1;
	p5 =	por $0x1, $0x1;
	[sflag:s10] =	ssyncset.done $0x0  }
0x2c: {  	p2 =	por $0x1, $0x1;
	s28 =	simm.s32 @!p6 $0x0;
	[sflag:s10] =	ssyncadd.s32 $0xFFFFC000  }
0x2d: {  	p3 =	por p2, p2;
	s21 =	sadd.s32 $0x0, s5;
	_ =	swait.ge [sflag:s10], $0x2400  }
0x2e: {  	s17 =	simm.s32 $0xFE;
	s19 =	simm.s32 $0x1;
	[sflag:s10] =	ssyncset.done $0x0  }
0x2f: {  	s25 =	smul.u32 @p6 $0xC800, s21;
	s21 =	simm.s32 $0x0;
	[sflag:s10] =	ssyncadd.s32 $0xFFFFDC00  }
0x30: {  	s19 =	simm.s32 @!p4 $0x0;
	p4 =	por $0x0, $0x0;
	_ =	swait.ge [sflag:s10], $0x4000  }
0x31: {  	s23 =	sadd.s32 $0x1, s19;
	s16 =	sand.u32 @!p2 $0x1, s3;
	[sflag:s10] =	ssyncset.done $0x0  }
0x32: {  	s24 =	sor.u32 @!p3 $0x4, s16;
	s16 =	simm.s32 $0x1;
	[sflag:s10] =	ssyncadd.s32 $0xFFFFC000  }
0x33: {  	s16 =	simm.s32 @!p4 $0x0;
	p4 =	seq.s32 s20, $0x100;
	_ =	swait.ge [sflag:s10], $0x2400  }
0x34: {  	s19 =	simm.s32 $0x0;
	s20 =	simm.s32 @p4 $0x0;
	[sflag:s10] =	ssyncset.done $0x0  }
0x35: {  	s15 =	simm.s32 $0xFF;
	p1 =	sne.s32 s14, s20;
	[sflag:s10] =	ssyncadd.s32 $0xFFFFDC00  }
0x36: {  	p2 =	por $0x0, $0x0;
	p4 =	por !p5, !p1;
	_ =	strace $0x9000004B  }
0x37: {  	s16 =	sadd.s32 $0x0, s16;
	p4 =	por !p4, !p4;
	_ =	strace @p6 $0x8000004C  }
0x38: {  	s29 =	sand.u32 @p4 $0x1, s23;
	s26 =	sadd.s32 @p4 s5, s20;
	s30 =	rddreg [dreg:$0x4]  }
.LBB2_2:
0x39: {  	s0 =	sshrl.u32 @p6 s25, $0x3  }
0x3a: {  	s9 =	simm.s32 @p6 $0x0;
	s18 =	sor.u32 @p6 $0x4, s18;
	s0 =	sadd.s32 @p6 s30, s0  }
0x3b: {  	[hbm4b:s0+s9] =	stream.linear.scatter @p6 [tilespmem:s22], [sflag:s18], $0xC800, $0x200038;
	[tilespmem:$0x1C100] =	vst v63  }
0x3c: {  	_ =	strace @p6 $0x9000004C  }
0x3d: {  	s31 =	sshll.u32 @p4 s26, $0x6;
	_ =	strace @!p3 $0x8000004D  }
0x3e: {  	s26 =	smov.u32 s14;
	s14 =	sshll.u32 @p4 s29, $0x9;
	_ =	swait.ge @!p3 [sflag:s24], $0xC800  }
0x3f: {  	s21 =	sadd.s32 s28, s21;
	s31 =	sand.u32 @p4 $0x1FFFFFC0, s31;
	[sflag:s24] =	ssyncset.done @!p3 $0x0  }
0x40: {  	s4 =	sor.u32 @p4 $0x2D00, s14;
	s31 =	sadd.s32 @p4 s1, s31;
	[sflag:s24] =	ssyncadd.s32 @!p3 $0xFFFF3800  }
0x41: {  	s22 =	sshll.u32 s21, $0x9;
	s18 =	sor.u32 @p4 $0x2, s29;
	_ =	strace @!p3 $0x9000004D  }
0x42: {  	s9 =	sand.u32 $0x200, s22;
	s22 =	simm.s32 @p4 $0x0;
	_ =	strace @p4 $0x80000049  }
0x43: {  	[tilespmem:s4], [sflag:s18] =	stream.linear.gather @p4 [hbm4b:s31+s22], $0x200, $0x200038;
	[tilespmem:$0x1C100] =	vst v63  }
0x44: {  	s0 =	sand.u32 $0x1, s21;
	_ =	strace @p4 $0x90000049  }
0x45: {  	s19 =	sadd.s32 s28, s19;
	s0 =	sor.u32 $0x2, s0;
	_ =	strace $0x8000004A  }
0x46: {  	s18 =	sand.u32 $0x1, s19;
	_ =	swait.ge [sflag:s0], $0x200  }
0x47: {  	s24 =	smul.u32 $0x32000, s18;
	[sflag:s0] =	ssyncset.done $0x0  }
0x48: {  	[sflag:s0] =	ssyncadd.s32 $0xFFFFFE00  }
0x49: {  	s0 =	sshrl.u32 s24, $0x2;
	_ =	strace $0x9000004A  }
0x4a: {  	s31 =	sor.u32 $0x2D00, s9;
	s22 =	sadd.s32 $0x3100, s0;
	_ =	strace $0x8000004B  }
0x4b: {  	[tilespmem:s22], [sflag:$0x1] =	stream.indirect.gather [spmem:s2], $0x80, s31, s11, $0x2000b8;
	[tilespmem:$0x1C100] =	vst v63  }
0x4c: {  	s24 =	sadd.s32 $0x7100, s0;
	s31 =	sadd.s32 $0x2E00, s9  }
0x4d: {  	[tilespmem:s24], [sflag:$0x1] =	stream.indirect.gather [spmem:s2], $0x80, s31, s12, $0x2000b8;
	[tilespmem:$0x1C100] =	vst v63  }
0x4e: {  	s28 =	sand.u32 @!p2 $0x1, s16;
	s24 =	sadd.s32 $0x9500, s0;
	s31 =	sor.u32 $0x2D80, s9  }
0x4f: {  	[tilespmem:s24], [sflag:$0x1] =	stream.indirect.gather [spmem:s2], $0x80, s31, s11, $0x2000b8;
	[tilespmem:$0x1C100] =	vst v63  }
0x50: {  	s25 =	smov.u32 s15;
	s0 =	sadd.s32 $0xD500, s0;
	s31 =	sadd.s32 $0x2E80, s9  }
0x51: {  	[tilespmem:s0], [sflag:$0x1] =	stream.indirect.gather [spmem:s2], $0x80, s31, s12, $0x2000b8;
	[tilespmem:$0x1C100] =	vst v63  }
0x52: {  	s15 =	smov.u32 s17;
	s17 =	sadd.s32 $0xFFFFFFFF, s17;
	_ =	swait.ge [sflag:s10], $0x4000  }
0x53: {  	s14 =	smov.u32 s20;
	s20 =	sadd.s32 $0x1, s20;
	[sflag:s10] =	ssyncset.done $0x0  }
0x54: {  	p5 =	sne.s32 s17, $0x0;
	p6 =	seq.s32 s25, $0x1;
	[sflag:s10] =	ssyncadd.s32 $0xFFFFC000  }
0x55: {  	p6 =	por p6, p1;
	p3 =	por p2, p2;
	_ =	swait.ge [sflag:s10], $0x2400  }
0x56: {  	p2 =	seq.s32 s15, $0x100;
	s4 =	sadd.s32 s5, s26;
	[sflag:s10] =	ssyncset.done $0x0  }
0x57: {  	s24 =	sor.u32 @!p3 $0x4, s28;
	s9 =	simm.s32 $0x1;
	[sflag:s10] =	ssyncadd.s32 $0xFFFFDC00  }
0x58: {  	s28 =	simm.s32 $0x1;
	s0 =	simm.s32 $0x1;
	_ =	swait.ge [sflag:s10], $0x4000  }
0x59: {  	s28 =	simm.s32 @!p6 $0x0;
	s0 =	simm.s32 @!p4 $0x0;
	[sflag:s10] =	ssyncset.done $0x0  }
0x5a: {  	p4 =	sne.s32 s25, $0x100;
	s25 =	smul.u32 @p6 $0xC800, s4;
	[sflag:s10] =	ssyncadd.s32 $0xFFFFC000  }
0x5b: {  	s9 =	simm.s32 @!p4 $0x0;
	p4 =	seq.s32 s20, $0x100;
	_ =	swait.ge [sflag:s10], $0x2400  }
.Ltmp0:
0x5c: {  	s20 =	simm.s32 @p4 $0x0;
	[sflag:s10] =	ssyncset.done $0x0;
	(pc) =	sbr.rel @p5 .LBB2_2-.Ltmp0, $4  }
0x5d: {  	p4 =	sne.s32 s15, $0x1;
	p1 =	sne.s32 s14, s20;
	[sflag:s10] =	ssyncadd.s32 $0xFFFFDC00  }
0x5e: {  	s23 =	sadd.s32 s0, s23;
	p4 =	por !p4, !p1;
	_ =	strace $0x9000004B  }
0x5f: {  	s16 =	sadd.s32 s9, s16;
	p4 =	por !p4, !p4;
	_ =	strace @p6 $0x8000004C  }
0x60: {  	s29 =	sand.u32 @p4 $0x1, s23;
	s26 =	sadd.s32 @p4 s5, s20;
	s30 =	rddreg [dreg:$0x4]  }
0x61: {  	s0 =	sshrl.u32 @p6 s25, $0x3  }
0x62: {  	s4 =	simm.s32 @p6 $0x0;
	s9 =	sor.u32 @p6 $0x4, s18;
	s0 =	sadd.s32 @p6 s30, s0  }
0x63: {  	[hbm4b:s0+s4] =	stream.linear.scatter @p6 [tilespmem:s22], [sflag:s9], $0xC800, $0x200038;
	[tilespmem:$0x1C100] =	vst v63  }
0x64: {  	_ =	strace @p6 $0x9000004C  }
0x65: {  	_ =	strace @!p3 $0x8000004D  }
0x66: {  	_ =	swait.ge @!p3 [sflag:s24], $0xC800  }
0x67: {  	s31 =	sadd.s32 s28, s21;
	s17 =	sor.u32 @p4 $0x2, s29;
	[sflag:s24] =	ssyncset.done @!p3 $0x0  }
0x68: {  	s0 =	sshll.u32 @p4 s26, $0x6;
	s4 =	sshll.u32 @p4 s29, $0x9;
	[sflag:s24] =	ssyncadd.s32 @!p3 $0xFFFF3800  }
0x69: {  	s18 =	simm.s32 @p4 $0x0;
	s0 =	sand.u32 @p4 $0x1FFFFFC0, s0;
	_ =	strace @!p3 $0x9000004D  }
0x6a: {  	s4 =	sor.u32 @p4 $0x2D00, s4;
	s0 =	sadd.s32 @p4 s1, s0;
	_ =	strace @p4 $0x80000049  }
0x6b: {  	[tilespmem:s4], [sflag:s17] =	stream.linear.gather @p4 [hbm4b:s0+s18], $0x200, $0x200038;
	[tilespmem:$0x1C100] =	vst v63  }
0x6c: {  	s20 =	sand.u32 $0x1, s31;
	_ =	strace @p4 $0x90000049  }
0x6d: {  	s21 =	sadd.s32 s28, s19;
	s0 =	sor.u32 $0x2, s20;
	_ =	strace $0x8000004A  }
0x6e: {  	s4 =	sand.u32 $0x1, s21;
	_ =	swait.ge [sflag:s0], $0x200  }
0x6f: {  	s22 =	smul.u32 $0x32000, s4;
	[sflag:s0] =	ssyncset.done $0x0  }
0x70: {  	s9 =	sshll.u32 s31, $0x9;
	[sflag:s0] =	ssyncadd.s32 $0xFFFFFE00  }
0x71: {  	s23 =	sand.u32 $0x200, s9;
	s24 =	sshrl.u32 s22, $0x2;
	_ =	strace $0x9000004A  }
0x72: {  	s25 =	sor.u32 $0x2D00, s23;
	s17 =	sadd.s32 $0x3100, s24;
	_ =	strace $0x8000004B  }
0x73: {  	[tilespmem:s17], [sflag:$0x1] =	stream.indirect.gather [spmem:s2], $0x80, s25, s11, $0x2000b8;
	[tilespmem:$0x1C100] =	vst v63  }
0x74: {  	s28 =	sadd.s32 $0x2E00, s23;
	s26 =	sadd.s32 $0x7100, s24  }
0x75: {  	[tilespmem:s26], [sflag:$0x1] =	stream.indirect.gather [spmem:s2], $0x80, s28, s12, $0x2000b8;
	[tilespmem:$0x1C100] =	vst v63  }
0x76: {  	s30 =	sor.u32 $0x2D80, s23;
	s29 =	sadd.s32 $0x9500, s24  }
0x77: {  	[tilespmem:s29], [sflag:$0x1] =	stream.indirect.gather [spmem:s2], $0x80, s30, s11, $0x2000b8;
	[tilespmem:$0x1C100] =	vst v63  }
0x78: {  	s9 =	sadd.s32 $0xD500, s24;
	s0 =	sadd.s32 $0x2E80, s23  }
0x79: {  	[tilespmem:s9], [sflag:$0x1] =	stream.indirect.gather [spmem:s2], $0x80, s0, s12, $0x2000b8;
	[tilespmem:$0x1C100] =	vst v63  }
0x7a: {  	_ =	swait.ge [sflag:s10], $0x4000  }
0x7b: {  	[sflag:s10] =	ssyncset.done $0x0  }
0x7c: {  	[sflag:s10] =	ssyncadd.s32 $0xFFFFC000  }
0x7d: {  	_ =	swait.ge [sflag:s10], $0x2400  }
0x7e: {  	[sflag:s10] =	ssyncset.done $0x0  }
0x7f: {  	[sflag:s10] =	ssyncadd.s32 $0xFFFFDC00  }
0x80: {  	_ =	swait.ge [sflag:s10], $0x4000  }
0x81: {  	[sflag:s10] =	ssyncset.done $0x0  }
0x82: {  	[sflag:s10] =	ssyncadd.s32 $0xFFFFC000  }
0x83: {  	_ =	swait.ge [sflag:s10], $0x2400  }
0x84: {  	p6 =	seq.s32 s15, $0x1;
	[sflag:s10] =	ssyncset.done $0x0  }
0x85: {  	p1 =	por p6, p1;
	s0 =	sadd.s32 s5, s14;
	[sflag:s10] =	ssyncadd.s32 $0xFFFFDC00  }
0x86: {  	s0 =	smul.u32 @p1 $0xC800, s0;
	_ =	strace $0x9000004B  }
0x87: {  	_ =	strace @p1 $0x8000004C  }
0x88: {  	s0 =	sshrl.u32 @p1 s0, $0x3;
	s9 =	rddreg [dreg:$0x4]  }
0x89: {  	s4 =	sor.u32 @p1 $0x4, s4;
	s14 =	simm.s32 @p1 $0x0;
	s0 =	sadd.s32 @p1 s9, s0  }
0x8a: {  	[hbm4b:s0+s14] =	stream.linear.scatter @p1 [tilespmem:s17], [sflag:s4], $0xC800, $0x200038;
	[tilespmem:$0x1C100] =	vst v63  }
0x8b: {  	s0 =	sand.u32 @!p2 $0x1, s16;
	p2 =	por p2, p2;
	_ =	strace @p1 $0x9000004C  }
0x8c: {  	s0 =	sor.u32 @!p2 $0x4, s0;
	_ =	strace @!p2 $0x8000004D  }
0x8d: {  	s4 =	simm.s32 $0x1;
	p1 =	sne.s32 s15, $0x100;
	_ =	swait.ge @!p2 [sflag:s0], $0xC800  }
0x8e: {  	s4 =	simm.s32 @!p1 $0x0;
	[sflag:s0] =	ssyncset.done @!p2 $0x0  }
0x8f: {  	s13 =	sadd.s32 $0x1, s13;
	s4 =	sadd.s32 s4, s16;
	[sflag:s0] =	ssyncadd.s32 @!p2 $0xFFFF3800  }
0x90: {  	p1 =	sne.s32 s13, s7;
	s31 =	sand.u32 $0x1, s4;
	_ =	strace @!p2 $0x9000004D  }
.Ltmp1:
0x91: {  	s0 =	sor.u32 $0x4, s31;
	_ =	strace $0x8000004E;
	(pc) =	sbr.rel @p1 .LBB2_1-.Ltmp1, $4  }
0x92: {  	_ =	swait.ge [sflag:s0], $0xC800  }
0x93: {  	[sflag:s0] =	ssyncset.done $0x0  }
0x94: {  	[sflag:s0] =	ssyncadd.s32 $0xFFFF3800  }
0x95: {  	_ =	strace $0x9000004E  }
0x96: {  	_ =	sfence.sel $0x180000  }
0x97: {  	[bflag:$0x0] =	sbarrier.arrive $0xFFFF  }
0x98: {  	_ =	strace $0x90000047  }
0x99: {  	[bflag:$0x2] =	sbarrier.arrive $0xFFFF  }
0x9a: {  	s0 =	rddreg [dreg:$0x3]  }
0x9b: {  	s0 =	sadd.s32 @!p0 $0x100000, s0  }
0x9c: {  	[sflag:s0] =	ssyncadd.tile.s32 @!p0 $0x1;
	_ =	shalt  }
.Lfunc_end2:
_tile_overlayer_lowered:
.L_overlay_start_2:
0x9d: {  	(tag) =	ssettag $0x2  }
0x9e: {  	s0 =	rddreg [dreg:$0x0];
	s2 =	stileid.u32  }
0x9f: {  	s1 =	rddreg [dreg:$0x1];
	p0 =	sne.s32 s2, $0x0  }
0xa0: {  	s3 =	rddreg [dreg:$0x2];
	[bflag:$0x3] =	sbarrier.arrive $0xFFFF;
	s2 =	simm.s32 @!p0 $0x1C02  }
0xa1: {  	[timem:s3], [sflag:s2] =	dma.local @!p0 [hbm:s0], s1  }
0xa2: {  	s0 =	simm.s32 @!p0 $0x2  }
0xa3: {  	_ =	swait.ge @!p0 [sflag:s0], s1  }
0xa4: {  	s1 =	ssub.s32 @!p0 $0x0, s1;
	[sflag:s0] =	ssyncset.done @!p0 $0x0  }
0xa5: {  	[sflag:s0] =	ssyncadd.s32 @!p0 s1  }
0xa6: {  	[bflag:$0x3] =	sbarrier.arrive $0xFFFF  }
0xa7: {  	_ =	shalt  }

// kernel: sparse-core-data-format-call.cloned.1.call-start
scs
called_computation_lowered:
.L_overlay_start_0:
0x0: {  	s2 =	sld [smem:$0x3FD9]  }
0x1: {  	s3 =	sld [smem:$0x3FFE];
	_ =	sdelay $0x1  }
0x2: {  	s1 =	srdreg.scid  }
0x3: {  	s0 =	sand.u32 $0x1, s1  }
0x4: {  	s18 =	sshll.u32 s0, $0xA;
	s2 =	sadd.s32 s3, s2  }
0x5: {  	s2 =	sadd.s32 s2, s18  }
0x6: {  	[smem:$0x3FC6] =	sst s2  }
0x7: {  	_ = 	snop  }
0x8: {  	s2 =	sld [smem:$0x3FD0];
	(tm) =	ssettm $0x1  }
0x9: {  	s19 =	sld [smem:$0x3FFB];
	_ =	sdelay $0x3  }
0xa: {  	_ =	strace s19  }
0xb: {  	s3 =	sld [smem:$0x3FFC];
	_ =	sdelay $0x3  }
0xc: {  	_ =	strace s3  }
0xd: {  	s3 =	sld [smem:$0x3FFD];
	_ =	sdelay $0x3  }
0xe: {  	_ =	strace s3  }
0xf: {  	_ =	strace $0x8FFFFFFF  }
0x10: {  	s20 =	sld [smem:$0x3FDB];
	_ =	sdelay $0x1  }
0x11: {  	s4 =	simm.s32 $_scs_section_size  }
0x12: {  	s5 =	simm.s32 $_size__tile_overlayer_lowered;
	s6 =	simm.s32 $_tile_overlayer_lowered  }
0x13: {  	s23 =	simm.s32 $0x1BFF;
	s22 =	sshll.u32 s6, $0x1;
	s3 =	sadd.s32 s4, s20  }
0x14: {  	s7 =	simm.s32 $0x0;
	s21 =	sshll.u32 s5, $0x1;
	s5 =	sadd.s32 s22, s3  }
0x15: {  	[timem:s7], [sflag:s23] =	dma.local [hbm:s5], s21  }
0x16: {  	_ =	swait.ge [sflag:s23], s21  }
0x17: {  	s4 =	ssub.s32 $0x0, s21;
	[sflag:s23] =	ssyncset.done $0x0  }
0x18: {  	[sflag:s23] =	ssyncadd.s32 s4;
	_ =	sdelay $0x1  }
0x19: {  	s24 =	simm.s32 $0x1B8B  }
0x1a: {  	_ =	swait.ge [sflag:s24], $0x1  }
0x1b: {  	[sflag:s24] =	ssyncset.done $0x0  }
0x1c: {  	s26 =	simm.s32 $0x1B8E;
	s25 =	sld [smem:$0x3FFE];
	[sflag:s24] =	ssyncadd.s32 $0xFFFFFFFF  }
0x1d: {  	s27 =	simm.s32 $execute0_lowered;
	[smem:$0x3FD2] =	sst s26  }
0x1e: {  	s5 =	sshll.u32 s27, $0x1;
	_ =	strace $0x80000050;
	[dreg:$0x1] =	wrdreg $0xFFFFFFFF  }
0x1f: {  	s28 =	simm.s32 $_size_execute0_lowered;
	s3 =	sadd.s32 s3, s5;
	[dreg:$0x0] =	wrdreg $0x0  }
0x20: {  	s5 =	sshll.u32 s28, $0x1;
	[dreg:$0x2] =	wrdreg s3  }
0x21: {  	[dreg:$0x3] =	wrdreg s5  }
0x22: {  	[dreg:$0x4] =	wrdreg $0xC0  }
0x23: {  	_ =	task [dreg:s7], $0x5FFFF  }
0x24: {  	[dreg:$0x1] =	wrdreg $0xFFFFFFFF  }
0x25: {  	[dreg:$0x0] =	wrdreg $0x60  }
0x26: {  	[dreg:$0x2] =	wrdreg s25  }
0x27: {  	[dreg:$0x3] =	wrdreg s2  }
0x28: {  	[dreg:$0x4] =	wrdreg $0x9  }
0x29: {  	_ =	task.clear_ibuf [dreg:s7], $0x5FFFF;
	_ =	strace $0x90000050  }
0x2a: {  	s29 =	simm.s32 $0x9;
	_ =	strace $0x80000052  }
0x2b: {  	_ =	swait.ge [sflag:s29], $0x1  }
0x2c: {  	[sflag:s29] =	ssyncadd.s32 $0xFFFFFFFF  }
0x2d: {  	_ =	strace $0x90000052  }
0x2e: {  	_ =	sfence  }
0x2f: {  	s30 =	sld [smem:$0x0];
	_ =	sdelay $0x2  }
0x30: {  	s31 =	sshll.u32 s1, $0xD;
	s1 =	sshrl.u32 s1, $0x2  }
0x31: {  	s3 =	sand.u32 $0x4000, s31;
	s1 =	sadd.s32 s1, s30  }
0x32: {  	s0 =	sor.u32 s3, s0;
	s1 =	sshll.u32 s1, $0x11  }
0x33: {  	s0 =	sor.u32 s1, s0  }
0x34: {  	s0 =	sadd.s32 $0x8F2B, s0  }
0x35: {  	[sflag:s0] =	ssyncadd.remote.s32 $0x1  }
0x36: {  	_ =	sfence.sel $0xFFFF  }
0x37: {  	[dreg:$0x0] =	wrdreg $0xFFFFFFFF;
	(pc) =	sbr.abs _section_cstart, $3  }
0x38: {  	[dreg:$0x1] =	wrdreg $0xFFFFFFFF  }
0x39: {  	_ =	task.clear_ibuf [dreg:s7], $0x2FFFF;
	_ =	strace $0x9FFFFFFF  }
0x3a: {  	(tm) =	ssettm $0x7FFFFFFF  }
0x3b: {  	_ =	shalt  }
tec
execute0_lowered:
.L_overlay_start_1:
0x0: {  	(tag) =	ssettag $0x1  }
0x1: {  	s0 =	srdreg.scid  }
0x2: {  	s1 =	sshll.u32 s0, $0x4  }
0x3: {  	s6 =	rddreg [dreg:$0x0];
	s0 =	stileid.u32;
	s1 =	sand.u32 $0x10, s1  }
0x4: {  	s3 =	rddreg [dreg:$0x1];
	s1 =	sor.u32 s0, s1  }
0x5: {  	s5 =	simm.s32 $0x1;
	s31 =	simm.s32 $0x2;
	s2 =	sshll.u32 s1, $0x7  }
0x6: {  	s15 =	simm.s32 $0x0;
	s8 =	simm.s32 $0x20000;
	s4 =	ssub.s32 $0x4000, s2  }
0x7: {  	s14 =	simm.s32 $0x0;
	s9 =	simm.s32 $0x0;
	s30 =	sand.u32 $0xF80, s4  }
0x8: {  	s10 =	simm.s32 $0x0;
	s11 =	simm.s32 $0x0;
	p0 =	sne.s32 s30, $0x0  }
.Ltmp0:
0x9: {  	s7 =	sshrl.u32 s4, $0xC;
	s5 =	simm.s32 @!p0 $0x0;
	(pc) =	sbr.rel .LBB1_1-.Ltmp0, $4  }
0xa: {  	s13 =	simm.s32 $0x0;
	s1 =	rddreg [dreg:$0x2];
	s5 =	sadd.s32 s5, s7  }
0xb: {  	_ =	strace $0x80000051;
	s4 =	simm.s32 $0x1;
	s5 =	smul.u32 $0xC8, s5  }
0xc: {  	s6 =	sadd.s32 $0x6200, s6;
	s12 =	smov.u32 s2;
	[sflag:s4] =	ssyncpa.u1 $0x0  }
0xd: {  	[sflag:s31] =	ssyncpa.u1 $0x0;
	p0 =	por $0x0, $0x0;
	s7 =	sor.u32 $0x1, s5  }
.LBB1_4:
0xe: {  	s18 =	sshll.u32 s10, $0x3  }
0xf: {  	p1 =	sgt.s32 s9, $0xC7;
	s19 =	smov.u32 s9;
	s21 =	sshra.s32 s9, $0x1F  }
0x10: {  	s22 =	smov.u32 s10;
	s23 =	sshra.s32 s10, $0x1F;
	s25 =	sand.u32 $0x78, s10  }
0x11: {  	s27 =	smul.u32 $0x18000, s9;
	s28 =	sand.u32 $0x7, s10;
	s20 =	sshrl.u32 s18, $0xE  }
0x12: {  	s19 =	simm.s32 @!p1 $0xC7;
	s21 =	sand.u32 s21, s9;
	p1 =	sgt.s32 s10, $0x3F80  }
0x13: {  	s30 =	sand.u32 s23, s10;
	s18 =	sand.u32 $0x3C00, s18;
	s19 =	ssub.s32 s19, s21  }
0x14: {  	s22 =	simm.s32 @!p1 $0x3F80;
	s31 =	smulhi.u32 $0x5555556, s20;
	s24 =	ssub.s32 $0xC8, s19  }
0x15: {  	s21 =	ssub.s32 s22, s30;
	s19 =	sadd.s32 $0xFFFFFF39, s19;
	s24 =	smul.u32 $0x30, s24  }
0x16: {  	s23 =	smul.u32 $0x30, s31;
	p1 =	sgt.s32 s19, $0x0;
	s26 =	sadd.s32 $0xFFFFC080, s21  }
0x17: {  	s19 =	ssub.s32 $0x4000, s21;
	s24 =	simm.s32 @p1 $0x0;
	p1 =	sgt.s32 s26, $0x7F  }
0x18: {  	s18 =	sor.u32 s25, s18;
	s20 =	ssub.s32 s20, s23;
	s19 =	simm.s32 @p1 $0x0  }
0x19: {  	[tilespmem:s17+$0x810 ss:$0x81] =	vst.msk $0xffff, v2;
	s21 =	sadd.s32 s3, s27;
	s20 =	sshll.u32 s20, $0xB;
	s19 =	smul.u32 s19, s24  }
0x1a: {  	[tilespmem:s17+$0x1020 ss:$0x81] =	vst.msk $0xffff, v0;
	s29 =	sshll.u32 s28, $0x12;
	s18 =	sshrl.u32 s18, $0x3;
	s20 =	sadd.s32 s20, s21  }
0x1b: {  	[tilespmem:s17+$0x0 ss:$0x81] =	vst.msk $0xffff, v1;
	s31 =	sor.u32 $0x400, s29;
	s18 =	sadd.s32 s18, s20;
	s30 =	sand.u32 $0x3FFFFFF0, s19  }
0x1c: {  	[hbm4b:s18+s31] =	stream.strided.scatter [tilespmem:s16], [sflag:$0x2], s30, s8, s31, $0x20;
	[tilespmem:$0x8080] =	vst v63  }
.LBB1_5:
0x1d: {  	p1 =	slt.u32 s13, $0x2  }
0x1e: {  	s17 =	smov.u32 s15;
	p2 =	sgt.s32 @!p1 s15, $0xC7;
	s16 =	sshra.s32 @!p1 s15, $0x1F  }
0x1f: {  	p3 =	sgt.s32 @!p1 s14, $0x3F80;
	s18 =	sshra.s32 @!p1 s14, $0x1F;
	p2 =	por !p2, p1  }
0x20: {  	s15 =	sand.u32 @!p1 s16, s15;
	p3 =	por !p3, p1;
	s16 =	smov.u32 s14  }
0x21: {  	s14 =	sand.u32 @!p1 s18, s14;
	s17 =	simm.s32 @p2 $0xC7;
	s16 =	simm.s32 @p3 $0x3F80  }
0x22: {  	s18 =	smov.u32 s12;
	s15 =	ssub.s32 @!p1 s17, s15;
	s14 =	ssub.s32 @!p1 s16, s14  }
0x23: {  	s16 =	sadd.s32 @!p1 $0xFFFFFF39, s15;
	s15 =	ssub.s32 @!p1 $0xC8, s15;
	s17 =	sadd.s32 @!p1 $0xFFFFC080, s14  }
0x24: {  	p2 =	sgt.s32 @!p1 s16, $0x0;
	s15 =	smul.u32 @!p1 $0x30, s15;
	p3 =	sgt.s32 @!p1 s17, $0x7F  }
0x25: {  	s14 =	ssub.s32 @!p1 $0x4000, s14;
	p2 =	por !p2, p1;
	p3 =	por !p3, p1  }
0x26: {  	s16 =	sadd.s32 $0x1, s11;
	s15 =	simm.s32 @!p2 $0x0;
	s14 =	simm.s32 @!p3 $0x0  }
0x27: {  	p2 =	sgt.s32 s16, $0xC7;
	s14 =	smul.u32 @!p1 s14, s15;
	s15 =	sadd.s32 $0x1000, s12  }
0x28: {  	s18 =	smov.u32 @p2 s15  }
0x29: {  	s16 =	simm.s32 @p2 $0x0;
	p2 =	sgt.s32 s18, $0x3FFF  }
0x2a: {  	s18 =	smov.u32 @p2 s2;
	p2 =	sne.s32 s13, s7  }
.Ltmp1:
0x2b: {  	p0 =	por !p0, !p0;
	s17 =	simm.s32 @!p1 $0x2;
	(pc) =	sbr.rel @!p2 .LBB1_6-.Ltmp1, $4  }
0x2c: {  	s15 =	smov.u32 s9;
	s9 =	smov.u32 s11;
	s14 =	sand.u32 @!p1 $0x3FFFFFF0, s14  }
0x2d: {  	s11 =	smov.u32 s16;
	_ =	swait.ge @!p1 [sflag:s17], s14;
	s19 =	ssub.s32 @!p1 $0x0, s14  }
0x2e: {  	s14 =	smov.u32 s10;
	s13 =	sadd.s32 $0x1, s13;
	[sflag:s17] =	ssyncset.done @!p1 $0x0  }
0x2f: {  	s10 =	smov.u32 s12;
	s12 =	smov.u32 s18;
	[sflag:s17] =	ssyncadd.s32 @!p1 s19  }
.LBB1_1:
0x30: {  	p1 =	sge.u32 s13, s5  }
0x31: {  	s16 =	sand.u32 @!p1 $0x1FFFFFF, s11  }
0x32: {  	s17 =	smulhi.u32 @!p1 $0x147AE15, s16;
	_ =	sdelay $0x1  }
0x33: {  	s17 =	smul.u32 @!p1 $0xC8, s17  }
0x34: {  	s18 =	sxor.u32 @!p1 $0xFFFFFFFF, s13;
	s19 =	smul.u32 @!p1 $0xC80, s12  }
0x35: {  	s31 =	sadd.s32 $0xFFFFFFFF, s13;
	s18 =	sshll.u32 @!p1 s18, $0xD;
	s16 =	ssub.s32 @!p1 s16, s17  }
0x36: {  	s17 =	sand.u32 @!p1 $0x2000, s18;
	s18 =	sadd.s32 @!p1 s6, s19;
	s16 =	sshll.u32 @!p1 s16, $0x4  }
0x37: {  	s19 =	simm.s32 @!p1 $0x6400;
	s16 =	sadd.s32 @!p1 s16, s18;
	s18 =	simm.s32 @!p1 $0x40  }
0x38: {  	[tilespmem:s17], [sflag:$0x1] =	stream.strided.gather @!p1 [hbm4b:s16+s18], $0x2000, s19, s18, $0x38;
	[tilespmem:$0x8080] =	vst v63  }
0x39: {  	p1 =	sge.u32 s31, s5  }
.Ltmp2:
0x3a: {  	_ = 	snop;
	(pc) =	sbr.rel @p1 .LBB1_5-.Ltmp2, $1  }
0x3b: {  	_ =	sdelay $0x3  }
0x3c: {  	s16 =	simm.s32 $0x1  }
0x3d: {  	_ =	swait.ge [sflag:s4], $0x2000;
	s16 =	simm.s32 @!p0 $0x0  }
0x3e: {  	[sflag:s4] =	ssyncset.done $0x0;
	s17 =	sshll.u32 s16, $0xD  }
0x3f: {  	[sflag:s4] =	ssyncadd.s32 $0xFFFFE000;
	s20 =	sor.u32 $0x20, s17  }
0x40: {  	s16 =	smul.u32 $0x8100, s16;
	v3 =	vld [tilespmem:s20+$0x10]  }
0x41: {  	s30 =	sand.u32 $0x1, s13;
	v2 =	vld [tilespmem:s20+$0xFFFFFFF0]  }
0x42: {  	s17 =	smul.u32 $0x8100, s30;
	s16 =	sshrl.u32 s16, $0x2;
	v0 =	vld [tilespmem:s20+$0x0]  }
0x43: {  	v1 =	vld [tilespmem:s20+$0xFFFFFFE0];
	s18 =	sor.u32 $0x4000, s16  }
0x44: {  	s31 =	sshrl.u32 s17, $0x2;
	s17 =	sadd.s32 $0x0, s18  }
0x45: {  	s19 =	simm.s32 $0x4;
	s20 =	sadd.s32 $0x40, s20;
	s16 =	sor.u32 $0x4000, s31;
	[tilespmem:s17+$0x1830 ss:$0x81] =	vst.msk $0xffff, v3  }
.LBB1_3:
0x46: {  	v3 =	vld [tilespmem:s20+$0x10];
	p1 =	sne.s32 s19, $0x1FC;
	[tilespmem:s17+$0x810 ss:$0x81] =	vst.msk $0xffff, v2;
	s21 =	smov.u32 s19;
	s19 =	sadd.s32 $0x4, s19  }
.Ltmp3:
0x47: {  	v2 =	vld [tilespmem:s20+$0xFFFFFFF0];
	[tilespmem:s17+$0x1020 ss:$0x81] =	vst.msk $0xffff, v0;
	(pc) =	sbr.rel @p1 .LBB1_3-.Ltmp3, $4  }
0x48: {  	v0 =	vld [tilespmem:s20+$0x0];
	[tilespmem:s17+$0x0 ss:$0x81] =	vst.msk $0xffff, v1  }
0x49: {  	s17 =	sshra.s32 s21, $0x2;
	v1 =	vld [tilespmem:s20+$0xFFFFFFE0]  }
0x4a: {  	s17 =	sadd.s32 s17, s18  }
0x4b: {  	s20 =	sadd.s32 $0x40, s20;
	[tilespmem:s17+$0x1830 ss:$0x81] =	vst.msk $0xffff, v3  }
.Ltmp4:
0x4c: {  	_ = 	snop;
	(pc) =	sbr.rel .LBB1_4-.Ltmp4, $1  }
0x4d: {  	_ =	sdelay $0x3  }
.LBB1_6:
0x4e: {  	_ =	sfence.sel $0x180000  }
0x4f: {  	s2 =	simm.s32 $0x1;
	[bflag:$0x0] =	sbarrier.arrive $0xFFFF  }
0x50: {  	s31 =	simm.s32 $0x2;
	[sflag:s2] =	ssyncpa.u1 $0x1  }
0x51: {  	[sflag:s31] =	ssyncpa.u1 $0x1  }
0x52: {  	p0 =	sne.s32 s0, $0x0;
	_ =	strace $0x90000051  }
0x53: {  	s0 =	sadd.s32 @!p0 $0x100000, s1;
	[bflag:$0x2] =	sbarrier.arrive $0xFFFF  }
0x54: {  	[sflag:s0] =	ssyncadd.tile.s32 @!p0 $0x1;
	_ =	shalt  }
.Lfunc_end1:
_tile_overlayer_lowered:
.L_overlay_start_2:
0x55: {  	(tag) =	ssettag $0x2  }
0x56: {  	s0 =	rddreg [dreg:$0x0];
	s2 =	stileid.u32  }
0x57: {  	s1 =	rddreg [dreg:$0x1];
	p0 =	sne.s32 s2, $0x0  }
0x58: {  	s3 =	rddreg [dreg:$0x2];
	[bflag:$0x3] =	sbarrier.arrive $0xFFFF;
	s2 =	simm.s32 @!p0 $0x1C01  }
0x59: {  	[timem:s3], [sflag:s2] =	dma.local @!p0 [hbm:s0], s1  }
0x5a: {  	s0 =	simm.s32 @!p0 $0x1  }
0x5b: {  	_ =	swait.ge @!p0 [sflag:s0], s1  }
0x5c: {  	s1 =	ssub.s32 @!p0 $0x0, s1;
	[sflag:s0] =	ssyncset.done @!p0 $0x0  }
0x5d: {  	[sflag:s0] =	ssyncadd.s32 @!p0 s1  }
0x5e: {  	[bflag:$0x3] =	sbarrier.arrive $0xFFFF  }
0x5f: {  	_ =	shalt  }

</sc_bundles>
